<compile_context>
chip_gen: v7x
topology: tpu7x:2x2x1
jax: 0.10.2.dev20260603
libtpu: 0.0.44.dev20260713+nightly
codegen_flags: <defaults>
</compile_context>

<pallas_src>
import jax
import jax.numpy as jnp
from jax import lax
from jax.experimental import pallas as pl
from jax.experimental.pallas import tpu as pltpu
from jax.experimental.pallas import tpu_sc as plsc

VOCAB = 1000000
EMBED_DIM = 64
BATCH = 4096
HIST = 200

NUM_CORES = 2
NUM_SUBCORES = 16
NUM_WORKERS = NUM_CORES * NUM_SUBCORES

N = BATCH * HIST
CHUNK = 256
PER_WORKER = N // NUM_WORKERS
CHUNKS_PER_WORKER = PER_WORKER // CHUNK
NBUF = 4
LAG = 1


def _sc_body(cids_hbm, wids_hbm, table_hbm, out_hbm,
             idx_c, idx_w, rows, sem_gc, sem_gw, sem_s):
    wid = lax.axis_index("s") * NUM_CORES + lax.axis_index("c")
    row0 = wid * CHUNKS_PER_WORKER

    pltpu.sync_copy(cids_hbm.at[pl.ds(row0, CHUNKS_PER_WORKER)], idx_c)
    pltpu.sync_copy(wids_hbm.at[pl.ds(row0, CHUNKS_PER_WORKER)], idx_w)

    def fire_gc(i, b):
        pltpu.async_copy(table_hbm.at[idx_c.at[i]], rows.at[b], sem_gc.at[b])

    def wait_gc(b):
        pltpu.make_async_copy(table_hbm.at[idx_c.at[0]], rows.at[b],
                              sem_gc.at[b]).wait()

    def fire_gw(i, b):
        pltpu.async_copy(table_hbm.at[idx_w.at[i]], rows.at[b], sem_gw.at[b],
                         add=True)

    def wait_gw(b):
        pltpu.make_async_copy(table_hbm.at[idx_w.at[0]], rows.at[b],
                              sem_gw.at[b]).wait()

    def fire_s(i, b):
        dst = out_hbm.at[pl.ds((row0 + i) * CHUNK, CHUNK),
                         pl.ds(0, EMBED_DIM)]
        pltpu.async_copy(rows.at[b], dst, sem_s.at[b])

    def wait_s(b):
        dst = out_hbm.at[pl.ds(0, CHUNK), pl.ds(0, EMBED_DIM)]
        pltpu.make_async_copy(rows.at[b], dst, sem_s.at[b]).wait()

    @pl.loop(0, CHUNKS_PER_WORKER, step=NBUF)
    def _grp(i0):
        for o in range(NBUF):
            i = i0 + o
            b = o

            @pl.when(i >= NBUF)
            def _():
                wait_s(b)

            fire_gc(i, b)

            b1 = (o - LAG) % NBUF

            @pl.when(i >= LAG)
            def _():
                wait_gc(b1)
                fire_gw(i - LAG, b1)

            b2 = (o - 2 * LAG) % NBUF

            @pl.when(i >= 2 * LAG)
            def _():
                wait_gw(b2)
                fire_s(i - 2 * LAG, b2)

    for i in range(CHUNKS_PER_WORKER, CHUNKS_PER_WORKER + 2 * LAG):
        j1 = i - LAG
        if 0 <= j1 < CHUNKS_PER_WORKER:
            wait_gc(j1 % NBUF)
            fire_gw(j1, j1 % NBUF)
        j2 = i - 2 * LAG
        if 0 <= j2 < CHUNKS_PER_WORKER:
            wait_gw(j2 % NBUF)
            fire_s(j2, j2 % NBUF)
    for b in range(NBUF):
        wait_s(b)


@jax.jit
def _run(cids2, wids2, table_p):
    mesh = plsc.VectorSubcoreMesh(core_axis_name="c", subcore_axis_name="s")
    fn = pl.kernel(
        _sc_body,
        out_type=jax.ShapeDtypeStruct((N, 2 * EMBED_DIM), jnp.float32),
        mesh=mesh,
        scratch_types=[
            pltpu.VMEM((CHUNKS_PER_WORKER, CHUNK), jnp.int32),
            pltpu.VMEM((CHUNKS_PER_WORKER, CHUNK), jnp.int32),
            pltpu.VMEM((NBUF, CHUNK, EMBED_DIM), jnp.float32),
            pltpu.SemaphoreType.DMA((NBUF,)),
            pltpu.SemaphoreType.DMA((NBUF,)),
            pltpu.SemaphoreType.DMA((NBUF,)),
        ],
        compiler_params=pltpu.CompilerParams(use_tc_tiling_on_sc=False),
    )
    return fn(cids2, wids2, table_p)


def kernel(cids, wids, sids, embeddings):
    del sids
    table_p = jnp.pad(embeddings, ((0, 0), (0, 64))).reshape(
        2 * VOCAB, EMBED_DIM)
    cids2 = (cids.astype(jnp.int32) * 2).reshape(N // CHUNK, CHUNK)
    wids2 = (wids.astype(jnp.int32) * 2).reshape(N // CHUNK, CHUNK)
    out = _run(cids2, wids2, table_p)
    return out.reshape(BATCH, HIST, 2 * EMBED_DIM)[:, :, :EMBED_DIM]

# --- scband reference (transcript-rebuilt; emitter-appended) ---
"""Pipeline reference for scband-char-align-hybrid-embedding-13554916786661 (READ-ONLY COPY).

The authoritative reference and input builder live on the scoring server;
editing this copy changes nothing except your own understanding.
"""

import jax, jax.numpy as jnp
import numpy as np

VOCAB = 1000000
EMBED_DIM = 64
BATCH = 4096
HIST = 200


def setup_inputs(seed: int = 0) -> dict:
    key = jax.random.key(seed)
    k1, k2, k3, k4 = jax.random.split(key, 4)
    cids = jax.random.randint(k1, (BATCH, HIST), 0, VOCAB)
    wids = jax.random.randint(k2, (BATCH, HIST), 0, VOCAB)
    sids = jax.random.randint(k3, (BATCH, HIST), 0, 100)
    # shared char/word embedding table (keras 'uniform' initializer ~ U[-0.05, 0.05])
    embeddings = jax.random.uniform(k4, (VOCAB, EMBED_DIM), minval=-0.05, maxval=0.05, dtype=jnp.float32)
    return {"cids": cids, "wids": wids, "sids": sids, "embeddings": embeddings}


def reference(cids, wids, sids, embeddings):
    # CharAlignHybridEmbedding.call with hybridmerge='add',
    # without_segment_embedding=True, mask=None (mask=1.0, no-op)
    xc = jnp.take(embeddings, cids, axis=0)
    xw = jnp.take(embeddings, wids, axis=0)
    xs = 0.0  # segment embedding disabled
    u = 2.0   # without_segment_embedding -> u = 2.0
    x = xc + xw + xs / u
    return x

if __name__ == "__main__":
    import jax
    _d = setup_inputs()
    print(jax.jit(kernel)(*tuple(_d.values())))

</pallas_src>

<mosaic_0001>
#map = affine_map<(d0, d1) -> (0, 0)>
module attributes {stable_mosaic.version = 14 : i64} {
  func.func @_sc_body(%arg0: i32, %arg1: i32, %arg2: memref<3200x256xi32, #tpu.memory_space<hbm>>, %arg3: memref<3200x256xi32, #tpu.memory_space<hbm>>, %arg4: memref<2000000x64xf32, #tpu.memory_space<hbm>>, %arg5: memref<819200x128xf32, #tpu.memory_space<hbm>>, %arg6: memref<100x256xi32, #tpu.memory_space<vmem>>, %arg7: memref<100x256xi32, #tpu.memory_space<vmem>>, %arg8: memref<4x256x64xf32, #tpu.memory_space<vmem>>, %arg9: memref<4x!tpu.dma_semaphore, #tpu.memory_space<semaphore_mem>>, %arg10: memref<4x!tpu.dma_semaphore, #tpu.memory_space<semaphore_mem>>, %arg11: memref<4x!tpu.dma_semaphore, #tpu.memory_space<semaphore_mem>>) attributes {dimension_semantics = [#tpu.dimension_semantics<core_parallel>, #tpu.dimension_semantics<subcore_parallel>], iteration_bounds = array<i64: 2, 16>, scalar_prefetch = 0 : i64, scratch_operands = 6 : i64, tpu.core_type = #tpu.core_type<sc_vector_subcore>, window_params = [{transform_indices = #map}, {transform_indices = #map}, {transform_indices = #map}, {transform_indices = #map}]} {
    %mul3A = arith.constant 2 : i32
    %mul3A_0 = arith.muli %arg1, %mul3A : i32
    %add3A = arith.addi %mul3A_0, %arg0 : i32
    %mul3A_1 = arith.constant 100 : i32
    %mul3A_2 = arith.muli %add3A, %mul3A_1 : i32
    "tpu.region"() ({
      %run_scoped3A = tpu.sem_alloc : memref<!tpu.dma_semaphore, #tpu.memory_space<semaphore_mem>>
      %dma_start3A_177 = arith.constant 0 : i32
      %dma_start3A_178 = tpu.memref_slice %arg2[%mul3A_2, %dma_start3A_177] : memref<3200x256xi32, #tpu.memory_space<hbm>> -> memref<100x256xi32, #tpu.memory_space<hbm>>
      %dma_start3A_179 = arith.constant 0 : i32
      %dma_start3A_180 = tpu.memref_slice %arg2[%mul3A_2, %dma_start3A_179] : memref<3200x256xi32, #tpu.memory_space<hbm>> -> memref<100x256xi32, #tpu.memory_space<hbm>>
      tpu.enqueue_dma source(%dma_start3A_180 : memref<100x256xi32, #tpu.memory_space<hbm>>) target(%arg6 : memref<100x256xi32, #tpu.memory_space<vmem>>) target_semaphore(%run_scoped3A : memref<!tpu.dma_semaphore, #tpu.memory_space<semaphore_mem>>)
      %dma_wait3A_181 = arith.constant 0 : i32
      %dma_wait3A_182 = tpu.memref_slice %arg2[%mul3A_2, %dma_wait3A_181] : memref<3200x256xi32, #tpu.memory_space<hbm>> -> memref<100x256xi32, #tpu.memory_space<hbm>>
      %dma_wait3A_183 = arith.constant 0 : i32
      %dma_wait3A_184 = tpu.memref_slice %arg2[%mul3A_2, %dma_wait3A_183] : memref<3200x256xi32, #tpu.memory_space<hbm>> -> memref<100x256xi32, #tpu.memory_space<hbm>>
      tpu.wait_dma2 semaphore(%run_scoped3A : memref<!tpu.dma_semaphore, #tpu.memory_space<semaphore_mem>>) src(%dma_wait3A_184 : memref<100x256xi32, #tpu.memory_space<hbm>>) dst(%arg6 : memref<100x256xi32, #tpu.memory_space<vmem>>)
      tpu.yield
    }) : () -> ()
    "tpu.region"() ({
      %run_scoped3A = tpu.sem_alloc : memref<!tpu.dma_semaphore, #tpu.memory_space<semaphore_mem>>
      %dma_start3A_177 = arith.constant 0 : i32
      %dma_start3A_178 = tpu.memref_slice %arg3[%mul3A_2, %dma_start3A_177] : memref<3200x256xi32, #tpu.memory_space<hbm>> -> memref<100x256xi32, #tpu.memory_space<hbm>>
      %dma_start3A_179 = arith.constant 0 : i32
      %dma_start3A_180 = tpu.memref_slice %arg3[%mul3A_2, %dma_start3A_179] : memref<3200x256xi32, #tpu.memory_space<hbm>> -> memref<100x256xi32, #tpu.memory_space<hbm>>
      tpu.enqueue_dma source(%dma_start3A_180 : memref<100x256xi32, #tpu.memory_space<hbm>>) target(%arg7 : memref<100x256xi32, #tpu.memory_space<vmem>>) target_semaphore(%run_scoped3A : memref<!tpu.dma_semaphore, #tpu.memory_space<semaphore_mem>>)
      %dma_wait3A_181 = arith.constant 0 : i32
      %dma_wait3A_182 = tpu.memref_slice %arg3[%mul3A_2, %dma_wait3A_181] : memref<3200x256xi32, #tpu.memory_space<hbm>> -> memref<100x256xi32, #tpu.memory_space<hbm>>
      %dma_wait3A_183 = arith.constant 0 : i32
      %dma_wait3A_184 = tpu.memref_slice %arg3[%mul3A_2, %dma_wait3A_183] : memref<3200x256xi32, #tpu.memory_space<hbm>> -> memref<100x256xi32, #tpu.memory_space<hbm>>
      tpu.wait_dma2 semaphore(%run_scoped3A : memref<!tpu.dma_semaphore, #tpu.memory_space<semaphore_mem>>) src(%dma_wait3A_184 : memref<100x256xi32, #tpu.memory_space<hbm>>) dst(%arg7 : memref<100x256xi32, #tpu.memory_space<vmem>>)
      tpu.yield
    }) : () -> ()
    %scan3A = arith.constant 0 : i32
    %scan3A_3 = arith.constant 25 : i32
    %scan3A_4 = arith.addi %scan3A, %scan3A_3 : i32
    %scan3A_5 = arith.constant 1 : i32
    scf.for %scan3A_177 = %scan3A to %scan3A_4 step %scan3A_5  : i32 {
      %mul3A_178 = arith.constant 4 : i32
      %mul3A_179 = arith.muli %scan3A_177, %mul3A_178 : i32
      %add3A_180 = arith.constant 0 : i32
      %add3A_181 = arith.addi %add3A_180, %mul3A_179 : i32
      %add3A_182 = arith.constant 0 : i32
      %add3A_183 = arith.addi %add3A_181, %add3A_182 : i32
      %ge3A = arith.constant 4 : i32
      %ge3A_184 = arith.cmpi sge, %add3A_183, %ge3A : i32
      %convert_element_type3A = arith.extui %ge3A_184 : i1 to i32
      %cond3A = arith.constant 0 : i32
      %cond3A_185 = arith.cmpi ne, %convert_element_type3A, %cond3A : i32
      scf.if %cond3A_185 {
        %dma_wait3A_303 = arith.constant 0 : i32
        %dma_wait3A_304 = arith.constant 0 : i32
        %dma_wait3A_305 = arith.constant 0 : i32
        %dma_wait3A_306 = arith.constant 0 : i32
        %dma_wait3A_307 = tpu.memref_slice %arg8[%dma_wait3A_303, %dma_wait3A_305, %dma_wait3A_306] : memref<4x256x64xf32, #tpu.memory_space<vmem>> -> memref<1x256x64xf32, #tpu.memory_space<vmem>>
        %dma_wait3A_308 = tpu.memref_squeeze %dma_wait3A_307 : memref<1x256x64xf32, #tpu.memory_space<vmem>> -> memref<256x64xf32, #tpu.memory_space<vmem>>
        %dma_wait3A_309 = arith.constant 0 : i32
        %dma_wait3A_310 = arith.constant 0 : i32
        %dma_wait3A_311 = tpu.memref_slice %arg5[%dma_wait3A_309, %dma_wait3A_310] : memref<819200x128xf32, #tpu.memory_space<hbm>> -> memref<256x64xf32, #tpu.memory_space<hbm>>
        %dma_wait3A_312 = tpu.memref_slice %arg11[%dma_wait3A_304] : memref<4x!tpu.dma_semaphore, #tpu.memory_space<semaphore_mem>> -> memref<1x!tpu.dma_semaphore, #tpu.memory_space<semaphore_mem>>
        %dma_wait3A_313 = tpu.memref_squeeze %dma_wait3A_312 : memref<1x!tpu.dma_semaphore, #tpu.memory_space<semaphore_mem>> -> memref<!tpu.dma_semaphore, #tpu.memory_space<semaphore_mem>>
        %dma_wait3A_314 = arith.constant 0 : i32
        %dma_wait3A_315 = arith.constant 0 : i32
        %dma_wait3A_316 = tpu.memref_slice %arg5[%dma_wait3A_314, %dma_wait3A_315] : memref<819200x128xf32, #tpu.memory_space<hbm>> -> memref<256x64xf32, #tpu.memory_space<hbm>>
        %dma_wait3A_317 = arith.constant 0 : i32
        %dma_wait3A_318 = arith.constant 0 : i32
        %dma_wait3A_319 = tpu.memref_slice %arg8[%dma_wait3A_303, %dma_wait3A_317, %dma_wait3A_318] : memref<4x256x64xf32, #tpu.memory_space<vmem>> -> memref<1x256x64xf32, #tpu.memory_space<vmem>>
        %dma_wait3A_320 = tpu.memref_squeeze %dma_wait3A_319 : memref<1x256x64xf32, #tpu.memory_space<vmem>> -> memref<256x64xf32, #tpu.memory_space<vmem>>
        tpu.wait_dma2 semaphore(%dma_wait3A_313 : memref<!tpu.dma_semaphore, #tpu.memory_space<semaphore_mem>>) src(%dma_wait3A_320 : memref<256x64xf32, #tpu.memory_space<vmem>>) dst(%dma_wait3A_316 : memref<256x64xf32, #tpu.memory_space<hbm>>)
      } else {
      }
      %dma_start3A_186 = arith.constant 0 : i32
      %dma_start3A_187 = arith.constant 0 : i32
      %dma_start3A_188 = arith.constant 0 : i32
      %dma_start3A_189 = arith.constant 0 : i32
      %dma_start3A_190 = tpu.memref_slice %arg8[%dma_start3A_186, %dma_start3A_188, %dma_start3A_189] : memref<4x256x64xf32, #tpu.memory_space<vmem>> -> memref<1x256x64xf32, #tpu.memory_space<vmem>>
      %dma_start3A_191 = tpu.memref_squeeze %dma_start3A_190 : memref<1x256x64xf32, #tpu.memory_space<vmem>> -> memref<256x64xf32, #tpu.memory_space<vmem>>
      %dma_start3A_192 = arith.constant 0 : i32
      %dma_start3A_193 = tpu.memref_slice %arg6[%add3A_183, %dma_start3A_192] : memref<100x256xi32, #tpu.memory_space<vmem>> -> memref<1x256xi32, #tpu.memory_space<vmem>>
      %dma_start3A_194 = tpu.memref_squeeze %dma_start3A_193 : memref<1x256xi32, #tpu.memory_space<vmem>> -> memref<256xi32, #tpu.memory_space<vmem>>
      %dma_start3A_195 = arith.constant 0 : i32
      %dma_start3A_196 = arith.constant 0 : i32
      %dma_start3A_197 = tpu.memref_slice %arg4[%dma_start3A_195, %dma_start3A_196] : memref<2000000x64xf32, #tpu.memory_space<hbm>> -> memref<2000000x64xf32, #tpu.memory_space<hbm>>
      %dma_start3A_198 = tpu.memref_slice %arg9[%dma_start3A_187] : memref<4x!tpu.dma_semaphore, #tpu.memory_space<semaphore_mem>> -> memref<1x!tpu.dma_semaphore, #tpu.memory_space<semaphore_mem>>
      %dma_start3A_199 = tpu.memref_squeeze %dma_start3A_198 : memref<1x!tpu.dma_semaphore, #tpu.memory_space<semaphore_mem>> -> memref<!tpu.dma_semaphore, #tpu.memory_space<semaphore_mem>>
      tpu.enqueue_indirect_dma source(%dma_start3A_197 : memref<2000000x64xf32, #tpu.memory_space<hbm>>) target(%dma_start3A_191 : memref<256x64xf32, #tpu.memory_space<vmem>>) offsets(%dma_start3A_194 : memref<256xi32, #tpu.memory_space<vmem>>) semaphore(%dma_start3A_199 : memref<!tpu.dma_semaphore, #tpu.memory_space<semaphore_mem>>)
      %ge3A_200 = arith.constant 1 : i32
      %ge3A_201 = arith.cmpi sge, %add3A_183, %ge3A_200 : i32
      %convert_element_type3A_202 = arith.extui %ge3A_201 : i1 to i32
      %cond3A_203 = arith.constant 0 : i32
      %cond3A_204 = arith.cmpi ne, %convert_element_type3A_202, %cond3A_203 : i32
      scf.if %cond3A_204 {
        %dma_wait3A_303 = arith.constant 0 : i32
        %dma_wait3A_304 = arith.constant 3 : i32
        %dma_wait3A_305 = arith.constant 3 : i32
        %dma_wait3A_306 = arith.constant 0 : i32
        %dma_wait3A_307 = arith.constant 0 : i32
        %dma_wait3A_308 = tpu.memref_slice %arg8[%dma_wait3A_304, %dma_wait3A_306, %dma_wait3A_307] : memref<4x256x64xf32, #tpu.memory_space<vmem>> -> memref<1x256x64xf32, #tpu.memory_space<vmem>>
        %dma_wait3A_309 = tpu.memref_squeeze %dma_wait3A_308 : memref<1x256x64xf32, #tpu.memory_space<vmem>> -> memref<256x64xf32, #tpu.memory_space<vmem>>
        %dma_wait3A_310 = arith.constant 0 : i32
        %dma_wait3A_311 = tpu.memref_slice %arg6[%dma_wait3A_303, %dma_wait3A_310] : memref<100x256xi32, #tpu.memory_space<vmem>> -> memref<1x256xi32, #tpu.memory_space<vmem>>
        %dma_wait3A_312 = tpu.memref_squeeze %dma_wait3A_311 : memref<1x256xi32, #tpu.memory_space<vmem>> -> memref<256xi32, #tpu.memory_space<vmem>>
        %dma_wait3A_313 = arith.constant 0 : i32
        %dma_wait3A_314 = arith.constant 0 : i32
        %dma_wait3A_315 = tpu.memref_slice %arg4[%dma_wait3A_313, %dma_wait3A_314] : memref<2000000x64xf32, #tpu.memory_space<hbm>> -> memref<2000000x64xf32, #tpu.memory_space<hbm>>
        %dma_wait3A_316 = tpu.memref_slice %arg9[%dma_wait3A_305] : memref<4x!tpu.dma_semaphore, #tpu.memory_space<semaphore_mem>> -> memref<1x!tpu.dma_semaphore, #tpu.memory_space<semaphore_mem>>
        %dma_wait3A_317 = tpu.memref_squeeze %dma_wait3A_316 : memref<1x!tpu.dma_semaphore, #tpu.memory_space<semaphore_mem>> -> memref<!tpu.dma_semaphore, #tpu.memory_space<semaphore_mem>>
        tpu.wait_indirect_dma semaphore(%dma_wait3A_317 : memref<!tpu.dma_semaphore, #tpu.memory_space<semaphore_mem>>) src(%dma_wait3A_315 : memref<2000000x64xf32, #tpu.memory_space<hbm>>) dst(%dma_wait3A_309 : memref<256x64xf32, #tpu.memory_space<vmem>>)
        %sub3A = arith.constant 1 : i32
        %sub3A_318 = arith.subi %add3A_183, %sub3A : i32
        %dma_start3A_319 = arith.constant 3 : i32
        %dma_start3A_320 = arith.constant 3 : i32
        %dma_start3A_321 = arith.constant 0 : i32
        %dma_start3A_322 = arith.constant 0 : i32
        %dma_start3A_323 = tpu.memref_slice %arg8[%dma_start3A_319, %dma_start3A_321, %dma_start3A_322] : memref<4x256x64xf32, #tpu.memory_space<vmem>> -> memref<1x256x64xf32, #tpu.memory_space<vmem>>
        %dma_start3A_324 = tpu.memref_squeeze %dma_start3A_323 : memref<1x256x64xf32, #tpu.memory_space<vmem>> -> memref<256x64xf32, #tpu.memory_space<vmem>>
        %dma_start3A_325 = arith.constant 0 : i32
        %dma_start3A_326 = tpu.memref_slice %arg7[%sub3A_318, %dma_start3A_325] : memref<100x256xi32, #tpu.memory_space<vmem>> -> memref<1x256xi32, #tpu.memory_space<vmem>>
        %dma_start3A_327 = tpu.memref_squeeze %dma_start3A_326 : memref<1x256xi32, #tpu.memory_space<vmem>> -> memref<256xi32, #tpu.memory_space<vmem>>
        %dma_start3A_328 = arith.constant 0 : i32
        %dma_start3A_329 = arith.constant 0 : i32
        %dma_start3A_330 = tpu.memref_slice %arg4[%dma_start3A_328, %dma_start3A_329] : memref<2000000x64xf32, #tpu.memory_space<hbm>> -> memref<2000000x64xf32, #tpu.memory_space<hbm>>
        %dma_start3A_331 = tpu.memref_slice %arg10[%dma_start3A_320] : memref<4x!tpu.dma_semaphore, #tpu.memory_space<semaphore_mem>> -> memref<1x!tpu.dma_semaphore, #tpu.memory_space<semaphore_mem>>
        %dma_start3A_332 = tpu.memref_squeeze %dma_start3A_331 : memref<1x!tpu.dma_semaphore, #tpu.memory_space<semaphore_mem>> -> memref<!tpu.dma_semaphore, #tpu.memory_space<semaphore_mem>>
        tpu.enqueue_indirect_dma source(%dma_start3A_330 : memref<2000000x64xf32, #tpu.memory_space<hbm>>) target(%dma_start3A_324 : memref<256x64xf32, #tpu.memory_space<vmem>>) offsets(%dma_start3A_327 : memref<256xi32, #tpu.memory_space<vmem>>) semaphore(%dma_start3A_332 : memref<!tpu.dma_semaphore, #tpu.memory_space<semaphore_mem>>) {add = true}
      } else {
      }
      %ge3A_205 = arith.constant 2 : i32
      %ge3A_206 = arith.cmpi sge, %add3A_183, %ge3A_205 : i32
      %convert_element_type3A_207 = arith.extui %ge3A_206 : i1 to i32
      %cond3A_208 = arith.constant 0 : i32
      %cond3A_209 = arith.cmpi ne, %convert_element_type3A_207, %cond3A_208 : i32
      scf.if %cond3A_209 {
        %dma_wait3A_303 = arith.constant 0 : i32
        %dma_wait3A_304 = arith.constant 2 : i32
        %dma_wait3A_305 = arith.constant 2 : i32
        %dma_wait3A_306 = arith.constant 0 : i32
        %dma_wait3A_307 = arith.constant 0 : i32
        %dma_wait3A_308 = tpu.memref_slice %arg8[%dma_wait3A_304, %dma_wait3A_306, %dma_wait3A_307] : memref<4x256x64xf32, #tpu.memory_space<vmem>> -> memref<1x256x64xf32, #tpu.memory_space<vmem>>
        %dma_wait3A_309 = tpu.memref_squeeze %dma_wait3A_308 : memref<1x256x64xf32, #tpu.memory_space<vmem>> -> memref<256x64xf32, #tpu.memory_space<vmem>>
        %dma_wait3A_310 = arith.constant 0 : i32
        %dma_wait3A_311 = tpu.memref_slice %arg7[%dma_wait3A_303, %dma_wait3A_310] : memref<100x256xi32, #tpu.memory_space<vmem>> -> memref<1x256xi32, #tpu.memory_space<vmem>>
        %dma_wait3A_312 = tpu.memref_squeeze %dma_wait3A_311 : memref<1x256xi32, #tpu.memory_space<vmem>> -> memref<256xi32, #tpu.memory_space<vmem>>
        %dma_wait3A_313 = arith.constant 0 : i32
        %dma_wait3A_314 = arith.constant 0 : i32
        %dma_wait3A_315 = tpu.memref_slice %arg4[%dma_wait3A_313, %dma_wait3A_314] : memref<2000000x64xf32, #tpu.memory_space<hbm>> -> memref<2000000x64xf32, #tpu.memory_space<hbm>>
        %dma_wait3A_316 = tpu.memref_slice %arg10[%dma_wait3A_305] : memref<4x!tpu.dma_semaphore, #tpu.memory_space<semaphore_mem>> -> memref<1x!tpu.dma_semaphore, #tpu.memory_space<semaphore_mem>>
        %dma_wait3A_317 = tpu.memref_squeeze %dma_wait3A_316 : memref<1x!tpu.dma_semaphore, #tpu.memory_space<semaphore_mem>> -> memref<!tpu.dma_semaphore, #tpu.memory_space<semaphore_mem>>
        tpu.wait_indirect_dma semaphore(%dma_wait3A_317 : memref<!tpu.dma_semaphore, #tpu.memory_space<semaphore_mem>>) src(%dma_wait3A_315 : memref<2000000x64xf32, #tpu.memory_space<hbm>>) dst(%dma_wait3A_309 : memref<256x64xf32, #tpu.memory_space<vmem>>)
        %sub3A = arith.constant 2 : i32
        %sub3A_318 = arith.subi %add3A_183, %sub3A : i32
        %add3A_319 = arith.addi %mul3A_2, %sub3A_318 : i32
        %mul3A_320 = arith.constant 256 : i32
        %mul3A_321 = arith.muli %add3A_319, %mul3A_320 : i32
        %dma_start3A_322 = arith.constant 2 : i32
        %dma_start3A_323 = arith.constant 2 : i32
        %dma_start3A_324 = arith.constant 0 : i32
        %dma_start3A_325 = arith.constant 0 : i32
        %dma_start3A_326 = tpu.memref_slice %arg8[%dma_start3A_322, %dma_start3A_324, %dma_start3A_325] : memref<4x256x64xf32, #tpu.memory_space<vmem>> -> memref<1x256x64xf32, #tpu.memory_space<vmem>>
        %dma_start3A_327 = tpu.memref_squeeze %dma_start3A_326 : memref<1x256x64xf32, #tpu.memory_space<vmem>> -> memref<256x64xf32, #tpu.memory_space<vmem>>
        %dma_start3A_328 = arith.constant 0 : i32
        %dma_start3A_329 = tpu.memref_slice %arg5[%mul3A_321, %dma_start3A_328] : memref<819200x128xf32, #tpu.memory_space<hbm>> -> memref<256x64xf32, #tpu.memory_space<hbm>>
        %dma_start3A_330 = tpu.memref_slice %arg11[%dma_start3A_323] : memref<4x!tpu.dma_semaphore, #tpu.memory_space<semaphore_mem>> -> memref<1x!tpu.dma_semaphore, #tpu.memory_space<semaphore_mem>>
        %dma_start3A_331 = tpu.memref_squeeze %dma_start3A_330 : memref<1x!tpu.dma_semaphore, #tpu.memory_space<semaphore_mem>> -> memref<!tpu.dma_semaphore, #tpu.memory_space<semaphore_mem>>
        %dma_start3A_332 = arith.constant 0 : i32
        %dma_start3A_333 = tpu.memref_slice %arg5[%mul3A_321, %dma_start3A_332] : memref<819200x128xf32, #tpu.memory_space<hbm>> -> memref<256x64xf32, #tpu.memory_space<hbm>>
        %dma_start3A_334 = arith.constant 0 : i32
        %dma_start3A_335 = arith.constant 0 : i32
        %dma_start3A_336 = tpu.memref_slice %arg8[%dma_start3A_322, %dma_start3A_334, %dma_start3A_335] : memref<4x256x64xf32, #tpu.memory_space<vmem>> -> memref<1x256x64xf32, #tpu.memory_space<vmem>>
        %dma_start3A_337 = tpu.memref_squeeze %dma_start3A_336 : memref<1x256x64xf32, #tpu.memory_space<vmem>> -> memref<256x64xf32, #tpu.memory_space<vmem>>
        tpu.enqueue_dma source(%dma_start3A_337 : memref<256x64xf32, #tpu.memory_space<vmem>>) target(%dma_start3A_333 : memref<256x64xf32, #tpu.memory_space<hbm>>) target_semaphore(%dma_start3A_331 : memref<!tpu.dma_semaphore, #tpu.memory_space<semaphore_mem>>)
      } else {
      }
      %add3A_210 = arith.constant 1 : i32
      %add3A_211 = arith.addi %add3A_181, %add3A_210 : i32
      %ge3A_212 = arith.constant 4 : i32
      %ge3A_213 = arith.cmpi sge, %add3A_211, %ge3A_212 : i32
      %convert_element_type3A_214 = arith.extui %ge3A_213 : i1 to i32
      %cond3A_215 = arith.constant 0 : i32
      %cond3A_216 = arith.cmpi ne, %convert_element_type3A_214, %cond3A_215 : i32
      scf.if %cond3A_216 {
        %dma_wait3A_303 = arith.constant 1 : i32
        %dma_wait3A_304 = arith.constant 1 : i32
        %dma_wait3A_305 = arith.constant 0 : i32
        %dma_wait3A_306 = arith.constant 0 : i32
        %dma_wait3A_307 = tpu.memref_slice %arg8[%dma_wait3A_303, %dma_wait3A_305, %dma_wait3A_306] : memref<4x256x64xf32, #tpu.memory_space<vmem>> -> memref<1x256x64xf32, #tpu.memory_space<vmem>>
        %dma_wait3A_308 = tpu.memref_squeeze %dma_wait3A_307 : memref<1x256x64xf32, #tpu.memory_space<vmem>> -> memref<256x64xf32, #tpu.memory_space<vmem>>
        %dma_wait3A_309 = arith.constant 0 : i32
        %dma_wait3A_310 = arith.constant 0 : i32
        %dma_wait3A_311 = tpu.memref_slice %arg5[%dma_wait3A_309, %dma_wait3A_310] : memref<819200x128xf32, #tpu.memory_space<hbm>> -> memref<256x64xf32, #tpu.memory_space<hbm>>
        %dma_wait3A_312 = tpu.memref_slice %arg11[%dma_wait3A_304] : memref<4x!tpu.dma_semaphore, #tpu.memory_space<semaphore_mem>> -> memref<1x!tpu.dma_semaphore, #tpu.memory_space<semaphore_mem>>
        %dma_wait3A_313 = tpu.memref_squeeze %dma_wait3A_312 : memref<1x!tpu.dma_semaphore, #tpu.memory_space<semaphore_mem>> -> memref<!tpu.dma_semaphore, #tpu.memory_space<semaphore_mem>>
        %dma_wait3A_314 = arith.constant 0 : i32
        %dma_wait3A_315 = arith.constant 0 : i32
        %dma_wait3A_316 = tpu.memref_slice %arg5[%dma_wait3A_314, %dma_wait3A_315] : memref<819200x128xf32, #tpu.memory_space<hbm>> -> memref<256x64xf32, #tpu.memory_space<hbm>>
        %dma_wait3A_317 = arith.constant 0 : i32
        %dma_wait3A_318 = arith.constant 0 : i32
        %dma_wait3A_319 = tpu.memref_slice %arg8[%dma_wait3A_303, %dma_wait3A_317, %dma_wait3A_318] : memref<4x256x64xf32, #tpu.memory_space<vmem>> -> memref<1x256x64xf32, #tpu.memory_space<vmem>>
        %dma_wait3A_320 = tpu.memref_squeeze %dma_wait3A_319 : memref<1x256x64xf32, #tpu.memory_space<vmem>> -> memref<256x64xf32, #tpu.memory_space<vmem>>
        tpu.wait_dma2 semaphore(%dma_wait3A_313 : memref<!tpu.dma_semaphore, #tpu.memory_space<semaphore_mem>>) src(%dma_wait3A_320 : memref<256x64xf32, #tpu.memory_space<vmem>>) dst(%dma_wait3A_316 : memref<256x64xf32, #tpu.memory_space<hbm>>)
      } else {
      }
      %dma_start3A_217 = arith.constant 1 : i32
      %dma_start3A_218 = arith.constant 1 : i32
      %dma_start3A_219 = arith.constant 0 : i32
      %dma_start3A_220 = arith.constant 0 : i32
      %dma_start3A_221 = tpu.memref_slice %arg8[%dma_start3A_217, %dma_start3A_219, %dma_start3A_220] : memref<4x256x64xf32, #tpu.memory_space<vmem>> -> memref<1x256x64xf32, #tpu.memory_space<vmem>>
      %dma_start3A_222 = tpu.memref_squeeze %dma_start3A_221 : memref<1x256x64xf32, #tpu.memory_space<vmem>> -> memref<256x64xf32, #tpu.memory_space<vmem>>
      %dma_start3A_223 = arith.constant 0 : i32
      %dma_start3A_224 = tpu.memref_slice %arg6[%add3A_211, %dma_start3A_223] : memref<100x256xi32, #tpu.memory_space<vmem>> -> memref<1x256xi32, #tpu.memory_space<vmem>>
      %dma_start3A_225 = tpu.memref_squeeze %dma_start3A_224 : memref<1x256xi32, #tpu.memory_space<vmem>> -> memref<256xi32, #tpu.memory_space<vmem>>
      %dma_start3A_226 = arith.constant 0 : i32
      %dma_start3A_227 = arith.constant 0 : i32
      %dma_start3A_228 = tpu.memref_slice %arg4[%dma_start3A_226, %dma_start3A_227] : memref<2000000x64xf32, #tpu.memory_space<hbm>> -> memref<2000000x64xf32, #tpu.memory_space<hbm>>
      %dma_start3A_229 = tpu.memref_slice %arg9[%dma_start3A_218] : memref<4x!tpu.dma_semaphore, #tpu.memory_space<semaphore_mem>> -> memref<1x!tpu.dma_semaphore, #tpu.memory_space<semaphore_mem>>
      %dma_start3A_230 = tpu.memref_squeeze %dma_start3A_229 : memref<1x!tpu.dma_semaphore, #tpu.memory_space<semaphore_mem>> -> memref<!tpu.dma_semaphore, #tpu.memory_space<semaphore_mem>>
      tpu.enqueue_indirect_dma source(%dma_start3A_228 : memref<2000000x64xf32, #tpu.memory_space<hbm>>) target(%dma_start3A_222 : memref<256x64xf32, #tpu.memory_space<vmem>>) offsets(%dma_start3A_225 : memref<256xi32, #tpu.memory_space<vmem>>) semaphore(%dma_start3A_230 : memref<!tpu.dma_semaphore, #tpu.memory_space<semaphore_mem>>)
      %ge3A_231 = arith.constant 1 : i32
      %ge3A_232 = arith.cmpi sge, %add3A_211, %ge3A_231 : i32
      %convert_element_type3A_233 = arith.extui %ge3A_232 : i1 to i32
      %cond3A_234 = arith.constant 0 : i32
      %cond3A_235 = arith.cmpi ne, %convert_element_type3A_233, %cond3A_234 : i32
      scf.if %cond3A_235 {
        %dma_wait3A_303 = arith.constant 0 : i32
        %dma_wait3A_304 = arith.constant 0 : i32
        %dma_wait3A_305 = arith.constant 0 : i32
        %dma_wait3A_306 = arith.constant 0 : i32
        %dma_wait3A_307 = arith.constant 0 : i32
        %dma_wait3A_308 = tpu.memref_slice %arg8[%dma_wait3A_304, %dma_wait3A_306, %dma_wait3A_307] : memref<4x256x64xf32, #tpu.memory_space<vmem>> -> memref<1x256x64xf32, #tpu.memory_space<vmem>>
        %dma_wait3A_309 = tpu.memref_squeeze %dma_wait3A_308 : memref<1x256x64xf32, #tpu.memory_space<vmem>> -> memref<256x64xf32, #tpu.memory_space<vmem>>
        %dma_wait3A_310 = arith.constant 0 : i32
        %dma_wait3A_311 = tpu.memref_slice %arg6[%dma_wait3A_303, %dma_wait3A_310] : memref<100x256xi32, #tpu.memory_space<vmem>> -> memref<1x256xi32, #tpu.memory_space<vmem>>
        %dma_wait3A_312 = tpu.memref_squeeze %dma_wait3A_311 : memref<1x256xi32, #tpu.memory_space<vmem>> -> memref<256xi32, #tpu.memory_space<vmem>>
        %dma_wait3A_313 = arith.constant 0 : i32
        %dma_wait3A_314 = arith.constant 0 : i32
        %dma_wait3A_315 = tpu.memref_slice %arg4[%dma_wait3A_313, %dma_wait3A_314] : memref<2000000x64xf32, #tpu.memory_space<hbm>> -> memref<2000000x64xf32, #tpu.memory_space<hbm>>
        %dma_wait3A_316 = tpu.memref_slice %arg9[%dma_wait3A_305] : memref<4x!tpu.dma_semaphore, #tpu.memory_space<semaphore_mem>> -> memref<1x!tpu.dma_semaphore, #tpu.memory_space<semaphore_mem>>
        %dma_wait3A_317 = tpu.memref_squeeze %dma_wait3A_316 : memref<1x!tpu.dma_semaphore, #tpu.memory_space<semaphore_mem>> -> memref<!tpu.dma_semaphore, #tpu.memory_space<semaphore_mem>>
        tpu.wait_indirect_dma semaphore(%dma_wait3A_317 : memref<!tpu.dma_semaphore, #tpu.memory_space<semaphore_mem>>) src(%dma_wait3A_315 : memref<2000000x64xf32, #tpu.memory_space<hbm>>) dst(%dma_wait3A_309 : memref<256x64xf32, #tpu.memory_space<vmem>>)
        %sub3A = arith.constant 1 : i32
        %sub3A_318 = arith.subi %add3A_211, %sub3A : i32
        %dma_start3A_319 = arith.constant 0 : i32
        %dma_start3A_320 = arith.constant 0 : i32
        %dma_start3A_321 = arith.constant 0 : i32
        %dma_start3A_322 = arith.constant 0 : i32
        %dma_start3A_323 = tpu.memref_slice %arg8[%dma_start3A_319, %dma_start3A_321, %dma_start3A_322] : memref<4x256x64xf32, #tpu.memory_space<vmem>> -> memref<1x256x64xf32, #tpu.memory_space<vmem>>
        %dma_start3A_324 = tpu.memref_squeeze %dma_start3A_323 : memref<1x256x64xf32, #tpu.memory_space<vmem>> -> memref<256x64xf32, #tpu.memory_space<vmem>>
        %dma_start3A_325 = arith.constant 0 : i32
        %dma_start3A_326 = tpu.memref_slice %arg7[%sub3A_318, %dma_start3A_325] : memref<100x256xi32, #tpu.memory_space<vmem>> -> memref<1x256xi32, #tpu.memory_space<vmem>>
        %dma_start3A_327 = tpu.memref_squeeze %dma_start3A_326 : memref<1x256xi32, #tpu.memory_space<vmem>> -> memref<256xi32, #tpu.memory_space<vmem>>
        %dma_start3A_328 = arith.constant 0 : i32
        %dma_start3A_329 = arith.constant 0 : i32
        %dma_start3A_330 = tpu.memref_slice %arg4[%dma_start3A_328, %dma_start3A_329] : memref<2000000x64xf32, #tpu.memory_space<hbm>> -> memref<2000000x64xf32, #tpu.memory_space<hbm>>
        %dma_start3A_331 = tpu.memref_slice %arg10[%dma_start3A_320] : memref<4x!tpu.dma_semaphore, #tpu.memory_space<semaphore_mem>> -> memref<1x!tpu.dma_semaphore, #tpu.memory_space<semaphore_mem>>
        %dma_start3A_332 = tpu.memref_squeeze %dma_start3A_331 : memref<1x!tpu.dma_semaphore, #tpu.memory_space<semaphore_mem>> -> memref<!tpu.dma_semaphore, #tpu.memory_space<semaphore_mem>>
        tpu.enqueue_indirect_dma source(%dma_start3A_330 : memref<2000000x64xf32, #tpu.memory_space<hbm>>) target(%dma_start3A_324 : memref<256x64xf32, #tpu.memory_space<vmem>>) offsets(%dma_start3A_327 : memref<256xi32, #tpu.memory_space<vmem>>) semaphore(%dma_start3A_332 : memref<!tpu.dma_semaphore, #tpu.memory_space<semaphore_mem>>) {add = true}
      } else {
      }
      %ge3A_236 = arith.constant 2 : i32
      %ge3A_237 = arith.cmpi sge, %add3A_211, %ge3A_236 : i32
      %convert_element_type3A_238 = arith.extui %ge3A_237 : i1 to i32
      %cond3A_239 = arith.constant 0 : i32
      %cond3A_240 = arith.cmpi ne, %convert_element_type3A_238, %cond3A_239 : i32
      scf.if %cond3A_240 {
        %dma_wait3A_303 = arith.constant 0 : i32
        %dma_wait3A_304 = arith.constant 3 : i32
        %dma_wait3A_305 = arith.constant 3 : i32
        %dma_wait3A_306 = arith.constant 0 : i32
        %dma_wait3A_307 = arith.constant 0 : i32
        %dma_wait3A_308 = tpu.memref_slice %arg8[%dma_wait3A_304, %dma_wait3A_306, %dma_wait3A_307] : memref<4x256x64xf32, #tpu.memory_space<vmem>> -> memref<1x256x64xf32, #tpu.memory_space<vmem>>
        %dma_wait3A_309 = tpu.memref_squeeze %dma_wait3A_308 : memref<1x256x64xf32, #tpu.memory_space<vmem>> -> memref<256x64xf32, #tpu.memory_space<vmem>>
        %dma_wait3A_310 = arith.constant 0 : i32
        %dma_wait3A_311 = tpu.memref_slice %arg7[%dma_wait3A_303, %dma_wait3A_310] : memref<100x256xi32, #tpu.memory_space<vmem>> -> memref<1x256xi32, #tpu.memory_space<vmem>>
        %dma_wait3A_312 = tpu.memref_squeeze %dma_wait3A_311 : memref<1x256xi32, #tpu.memory_space<vmem>> -> memref<256xi32, #tpu.memory_space<vmem>>
        %dma_wait3A_313 = arith.constant 0 : i32
        %dma_wait3A_314 = arith.constant 0 : i32
        %dma_wait3A_315 = tpu.memref_slice %arg4[%dma_wait3A_313, %dma_wait3A_314] : memref<2000000x64xf32, #tpu.memory_space<hbm>> -> memref<2000000x64xf32, #tpu.memory_space<hbm>>
        %dma_wait3A_316 = tpu.memref_slice %arg10[%dma_wait3A_305] : memref<4x!tpu.dma_semaphore, #tpu.memory_space<semaphore_mem>> -> memref<1x!tpu.dma_semaphore, #tpu.memory_space<semaphore_mem>>
        %dma_wait3A_317 = tpu.memref_squeeze %dma_wait3A_316 : memref<1x!tpu.dma_semaphore, #tpu.memory_space<semaphore_mem>> -> memref<!tpu.dma_semaphore, #tpu.memory_space<semaphore_mem>>
        tpu.wait_indirect_dma semaphore(%dma_wait3A_317 : memref<!tpu.dma_semaphore, #tpu.memory_space<semaphore_mem>>) src(%dma_wait3A_315 : memref<2000000x64xf32, #tpu.memory_space<hbm>>) dst(%dma_wait3A_309 : memref<256x64xf32, #tpu.memory_space<vmem>>)
        %sub3A = arith.constant 2 : i32
        %sub3A_318 = arith.subi %add3A_211, %sub3A : i32
        %add3A_319 = arith.addi %mul3A_2, %sub3A_318 : i32
        %mul3A_320 = arith.constant 256 : i32
        %mul3A_321 = arith.muli %add3A_319, %mul3A_320 : i32
        %dma_start3A_322 = arith.constant 3 : i32
        %dma_start3A_323 = arith.constant 3 : i32
        %dma_start3A_324 = arith.constant 0 : i32
        %dma_start3A_325 = arith.constant 0 : i32
        %dma_start3A_326 = tpu.memref_slice %arg8[%dma_start3A_322, %dma_start3A_324, %dma_start3A_325] : memref<4x256x64xf32, #tpu.memory_space<vmem>> -> memref<1x256x64xf32, #tpu.memory_space<vmem>>
        %dma_start3A_327 = tpu.memref_squeeze %dma_start3A_326 : memref<1x256x64xf32, #tpu.memory_space<vmem>> -> memref<256x64xf32, #tpu.memory_space<vmem>>
        %dma_start3A_328 = arith.constant 0 : i32
        %dma_start3A_329 = tpu.memref_slice %arg5[%mul3A_321, %dma_start3A_328] : memref<819200x128xf32, #tpu.memory_space<hbm>> -> memref<256x64xf32, #tpu.memory_space<hbm>>
        %dma_start3A_330 = tpu.memref_slice %arg11[%dma_start3A_323] : memref<4x!tpu.dma_semaphore, #tpu.memory_space<semaphore_mem>> -> memref<1x!tpu.dma_semaphore, #tpu.memory_space<semaphore_mem>>
        %dma_start3A_331 = tpu.memref_squeeze %dma_start3A_330 : memref<1x!tpu.dma_semaphore, #tpu.memory_space<semaphore_mem>> -> memref<!tpu.dma_semaphore, #tpu.memory_space<semaphore_mem>>
        %dma_start3A_332 = arith.constant 0 : i32
        %dma_start3A_333 = tpu.memref_slice %arg5[%mul3A_321, %dma_start3A_332] : memref<819200x128xf32, #tpu.memory_space<hbm>> -> memref<256x64xf32, #tpu.memory_space<hbm>>
        %dma_start3A_334 = arith.constant 0 : i32
        %dma_start3A_335 = arith.constant 0 : i32
        %dma_start3A_336 = tpu.memref_slice %arg8[%dma_start3A_322, %dma_start3A_334, %dma_start3A_335] : memref<4x256x64xf32, #tpu.memory_space<vmem>> -> memref<1x256x64xf32, #tpu.memory_space<vmem>>
        %dma_start3A_337 = tpu.memref_squeeze %dma_start3A_336 : memref<1x256x64xf32, #tpu.memory_space<vmem>> -> memref<256x64xf32, #tpu.memory_space<vmem>>
        tpu.enqueue_dma source(%dma_start3A_337 : memref<256x64xf32, #tpu.memory_space<vmem>>) target(%dma_start3A_333 : memref<256x64xf32, #tpu.memory_space<hbm>>) target_semaphore(%dma_start3A_331 : memref<!tpu.dma_semaphore, #tpu.memory_space<semaphore_mem>>)
      } else {
      }
      %add3A_241 = arith.constant 2 : i32
      %add3A_242 = arith.addi %add3A_181, %add3A_241 : i32
      %ge3A_243 = arith.constant 4 : i32
      %ge3A_244 = arith.cmpi sge, %add3A_242, %ge3A_243 : i32
      %convert_element_type3A_245 = arith.extui %ge3A_244 : i1 to i32
      %cond3A_246 = arith.constant 0 : i32
      %cond3A_247 = arith.cmpi ne, %convert_element_type3A_245, %cond3A_246 : i32
      scf.if %cond3A_247 {
        %dma_wait3A_303 = arith.constant 2 : i32
        %dma_wait3A_304 = arith.constant 2 : i32
        %dma_wait3A_305 = arith.constant 0 : i32
        %dma_wait3A_306 = arith.constant 0 : i32
        %dma_wait3A_307 = tpu.memref_slice %arg8[%dma_wait3A_303, %dma_wait3A_305, %dma_wait3A_306] : memref<4x256x64xf32, #tpu.memory_space<vmem>> -> memref<1x256x64xf32, #tpu.memory_space<vmem>>
        %dma_wait3A_308 = tpu.memref_squeeze %dma_wait3A_307 : memref<1x256x64xf32, #tpu.memory_space<vmem>> -> memref<256x64xf32, #tpu.memory_space<vmem>>
        %dma_wait3A_309 = arith.constant 0 : i32
        %dma_wait3A_310 = arith.constant 0 : i32
        %dma_wait3A_311 = tpu.memref_slice %arg5[%dma_wait3A_309, %dma_wait3A_310] : memref<819200x128xf32, #tpu.memory_space<hbm>> -> memref<256x64xf32, #tpu.memory_space<hbm>>
        %dma_wait3A_312 = tpu.memref_slice %arg11[%dma_wait3A_304] : memref<4x!tpu.dma_semaphore, #tpu.memory_space<semaphore_mem>> -> memref<1x!tpu.dma_semaphore, #tpu.memory_space<semaphore_mem>>
        %dma_wait3A_313 = tpu.memref_squeeze %dma_wait3A_312 : memref<1x!tpu.dma_semaphore, #tpu.memory_space<semaphore_mem>> -> memref<!tpu.dma_semaphore, #tpu.memory_space<semaphore_mem>>
        %dma_wait3A_314 = arith.constant 0 : i32
        %dma_wait3A_315 = arith.constant 0 : i32
        %dma_wait3A_316 = tpu.memref_slice %arg5[%dma_wait3A_314, %dma_wait3A_315] : memref<819200x128xf32, #tpu.memory_space<hbm>> -> memref<256x64xf32, #tpu.memory_space<hbm>>
        %dma_wait3A_317 = arith.constant 0 : i32
        %dma_wait3A_318 = arith.constant 0 : i32
        %dma_wait3A_319 = tpu.memref_slice %arg8[%dma_wait3A_303, %dma_wait3A_317, %dma_wait3A_318] : memref<4x256x64xf32, #tpu.memory_space<vmem>> -> memref<1x256x64xf32, #tpu.memory_space<vmem>>
        %dma_wait3A_320 = tpu.memref_squeeze %dma_wait3A_319 : memref<1x256x64xf32, #tpu.memory_space<vmem>> -> memref<256x64xf32, #tpu.memory_space<vmem>>
        tpu.wait_dma2 semaphore(%dma_wait3A_313 : memref<!tpu.dma_semaphore, #tpu.memory_space<semaphore_mem>>) src(%dma_wait3A_320 : memref<256x64xf32, #tpu.memory_space<vmem>>) dst(%dma_wait3A_316 : memref<256x64xf32, #tpu.memory_space<hbm>>)
      } else {
      }
      %dma_start3A_248 = arith.constant 2 : i32
      %dma_start3A_249 = arith.constant 2 : i32
      %dma_start3A_250 = arith.constant 0 : i32
      %dma_start3A_251 = arith.constant 0 : i32
      %dma_start3A_252 = tpu.memref_slice %arg8[%dma_start3A_248, %dma_start3A_250, %dma_start3A_251] : memref<4x256x64xf32, #tpu.memory_space<vmem>> -> memref<1x256x64xf32, #tpu.memory_space<vmem>>
      %dma_start3A_253 = tpu.memref_squeeze %dma_start3A_252 : memref<1x256x64xf32, #tpu.memory_space<vmem>> -> memref<256x64xf32, #tpu.memory_space<vmem>>
      %dma_start3A_254 = arith.constant 0 : i32
      %dma_start3A_255 = tpu.memref_slice %arg6[%add3A_242, %dma_start3A_254] : memref<100x256xi32, #tpu.memory_space<vmem>> -> memref<1x256xi32, #tpu.memory_space<vmem>>
      %dma_start3A_256 = tpu.memref_squeeze %dma_start3A_255 : memref<1x256xi32, #tpu.memory_space<vmem>> -> memref<256xi32, #tpu.memory_space<vmem>>
      %dma_start3A_257 = arith.constant 0 : i32
      %dma_start3A_258 = arith.constant 0 : i32
      %dma_start3A_259 = tpu.memref_slice %arg4[%dma_start3A_257, %dma_start3A_258] : memref<2000000x64xf32, #tpu.memory_space<hbm>> -> memref<2000000x64xf32, #tpu.memory_space<hbm>>
      %dma_start3A_260 = tpu.memref_slice %arg9[%dma_start3A_249] : memref<4x!tpu.dma_semaphore, #tpu.memory_space<semaphore_mem>> -> memref<1x!tpu.dma_semaphore, #tpu.memory_space<semaphore_mem>>
      %dma_start3A_261 = tpu.memref_squeeze %dma_start3A_260 : memref<1x!tpu.dma_semaphore, #tpu.memory_space<semaphore_mem>> -> memref<!tpu.dma_semaphore, #tpu.memory_space<semaphore_mem>>
      tpu.enqueue_indirect_dma source(%dma_start3A_259 : memref<2000000x64xf32, #tpu.memory_space<hbm>>) target(%dma_start3A_253 : memref<256x64xf32, #tpu.memory_space<vmem>>) offsets(%dma_start3A_256 : memref<256xi32, #tpu.memory_space<vmem>>) semaphore(%dma_start3A_261 : memref<!tpu.dma_semaphore, #tpu.memory_space<semaphore_mem>>)
      %ge3A_262 = arith.constant 1 : i32
      %ge3A_263 = arith.cmpi sge, %add3A_242, %ge3A_262 : i32
      %convert_element_type3A_264 = arith.extui %ge3A_263 : i1 to i32
      %cond3A_265 = arith.constant 0 : i32
      %cond3A_266 = arith.cmpi ne, %convert_element_type3A_264, %cond3A_265 : i32
      scf.if %cond3A_266 {
        %dma_wait3A_303 = arith.constant 0 : i32
        %dma_wait3A_304 = arith.constant 1 : i32
        %dma_wait3A_305 = arith.constant 1 : i32
        %dma_wait3A_306 = arith.constant 0 : i32
        %dma_wait3A_307 = arith.constant 0 : i32
        %dma_wait3A_308 = tpu.memref_slice %arg8[%dma_wait3A_304, %dma_wait3A_306, %dma_wait3A_307] : memref<4x256x64xf32, #tpu.memory_space<vmem>> -> memref<1x256x64xf32, #tpu.memory_space<vmem>>
        %dma_wait3A_309 = tpu.memref_squeeze %dma_wait3A_308 : memref<1x256x64xf32, #tpu.memory_space<vmem>> -> memref<256x64xf32, #tpu.memory_space<vmem>>
        %dma_wait3A_310 = arith.constant 0 : i32
        %dma_wait3A_311 = tpu.memref_slice %arg6[%dma_wait3A_303, %dma_wait3A_310] : memref<100x256xi32, #tpu.memory_space<vmem>> -> memref<1x256xi32, #tpu.memory_space<vmem>>
        %dma_wait3A_312 = tpu.memref_squeeze %dma_wait3A_311 : memref<1x256xi32, #tpu.memory_space<vmem>> -> memref<256xi32, #tpu.memory_space<vmem>>
        %dma_wait3A_313 = arith.constant 0 : i32
        %dma_wait3A_314 = arith.constant 0 : i32
        %dma_wait3A_315 = tpu.memref_slice %arg4[%dma_wait3A_313, %dma_wait3A_314] : memref<2000000x64xf32, #tpu.memory_space<hbm>> -> memref<2000000x64xf32, #tpu.memory_space<hbm>>
        %dma_wait3A_316 = tpu.memref_slice %arg9[%dma_wait3A_305] : memref<4x!tpu.dma_semaphore, #tpu.memory_space<semaphore_mem>> -> memref<1x!tpu.dma_semaphore, #tpu.memory_space<semaphore_mem>>
        %dma_wait3A_317 = tpu.memref_squeeze %dma_wait3A_316 : memref<1x!tpu.dma_semaphore, #tpu.memory_space<semaphore_mem>> -> memref<!tpu.dma_semaphore, #tpu.memory_space<semaphore_mem>>
        tpu.wait_indirect_dma semaphore(%dma_wait3A_317 : memref<!tpu.dma_semaphore, #tpu.memory_space<semaphore_mem>>) src(%dma_wait3A_315 : memref<2000000x64xf32, #tpu.memory_space<hbm>>) dst(%dma_wait3A_309 : memref<256x64xf32, #tpu.memory_space<vmem>>)
        %sub3A = arith.constant 1 : i32
        %sub3A_318 = arith.subi %add3A_242, %sub3A : i32
        %dma_start3A_319 = arith.constant 1 : i32
        %dma_start3A_320 = arith.constant 1 : i32
        %dma_start3A_321 = arith.constant 0 : i32
        %dma_start3A_322 = arith.constant 0 : i32
        %dma_start3A_323 = tpu.memref_slice %arg8[%dma_start3A_319, %dma_start3A_321, %dma_start3A_322] : memref<4x256x64xf32, #tpu.memory_space<vmem>> -> memref<1x256x64xf32, #tpu.memory_space<vmem>>
        %dma_start3A_324 = tpu.memref_squeeze %dma_start3A_323 : memref<1x256x64xf32, #tpu.memory_space<vmem>> -> memref<256x64xf32, #tpu.memory_space<vmem>>
        %dma_start3A_325 = arith.constant 0 : i32
        %dma_start3A_326 = tpu.memref_slice %arg7[%sub3A_318, %dma_start3A_325] : memref<100x256xi32, #tpu.memory_space<vmem>> -> memref<1x256xi32, #tpu.memory_space<vmem>>
        %dma_start3A_327 = tpu.memref_squeeze %dma_start3A_326 : memref<1x256xi32, #tpu.memory_space<vmem>> -> memref<256xi32, #tpu.memory_space<vmem>>
        %dma_start3A_328 = arith.constant 0 : i32
        %dma_start3A_329 = arith.constant 0 : i32
        %dma_start3A_330 = tpu.memref_slice %arg4[%dma_start3A_328, %dma_start3A_329] : memref<2000000x64xf32, #tpu.memory_space<hbm>> -> memref<2000000x64xf32, #tpu.memory_space<hbm>>
        %dma_start3A_331 = tpu.memref_slice %arg10[%dma_start3A_320] : memref<4x!tpu.dma_semaphore, #tpu.memory_space<semaphore_mem>> -> memref<1x!tpu.dma_semaphore, #tpu.memory_space<semaphore_mem>>
        %dma_start3A_332 = tpu.memref_squeeze %dma_start3A_331 : memref<1x!tpu.dma_semaphore, #tpu.memory_space<semaphore_mem>> -> memref<!tpu.dma_semaphore, #tpu.memory_space<semaphore_mem>>
        tpu.enqueue_indirect_dma source(%dma_start3A_330 : memref<2000000x64xf32, #tpu.memory_space<hbm>>) target(%dma_start3A_324 : memref<256x64xf32, #tpu.memory_space<vmem>>) offsets(%dma_start3A_327 : memref<256xi32, #tpu.memory_space<vmem>>) semaphore(%dma_start3A_332 : memref<!tpu.dma_semaphore, #tpu.memory_space<semaphore_mem>>) {add = true}
      } else {
      }
      %ge3A_267 = arith.constant 2 : i32
      %ge3A_268 = arith.cmpi sge, %add3A_242, %ge3A_267 : i32
      %convert_element_type3A_269 = arith.extui %ge3A_268 : i1 to i32
      %cond3A_270 = arith.constant 0 : i32
      %cond3A_271 = arith.cmpi ne, %convert_element_type3A_269, %cond3A_270 : i32
      scf.if %cond3A_271 {
        %dma_wait3A_303 = arith.constant 0 : i32
        %dma_wait3A_304 = arith.constant 0 : i32
        %dma_wait3A_305 = arith.constant 0 : i32
        %dma_wait3A_306 = arith.constant 0 : i32
        %dma_wait3A_307 = arith.constant 0 : i32
        %dma_wait3A_308 = tpu.memref_slice %arg8[%dma_wait3A_304, %dma_wait3A_306, %dma_wait3A_307] : memref<4x256x64xf32, #tpu.memory_space<vmem>> -> memref<1x256x64xf32, #tpu.memory_space<vmem>>
        %dma_wait3A_309 = tpu.memref_squeeze %dma_wait3A_308 : memref<1x256x64xf32, #tpu.memory_space<vmem>> -> memref<256x64xf32, #tpu.memory_space<vmem>>
        %dma_wait3A_310 = arith.constant 0 : i32
        %dma_wait3A_311 = tpu.memref_slice %arg7[%dma_wait3A_303, %dma_wait3A_310] : memref<100x256xi32, #tpu.memory_space<vmem>> -> memref<1x256xi32, #tpu.memory_space<vmem>>
        %dma_wait3A_312 = tpu.memref_squeeze %dma_wait3A_311 : memref<1x256xi32, #tpu.memory_space<vmem>> -> memref<256xi32, #tpu.memory_space<vmem>>
        %dma_wait3A_313 = arith.constant 0 : i32
        %dma_wait3A_314 = arith.constant 0 : i32
        %dma_wait3A_315 = tpu.memref_slice %arg4[%dma_wait3A_313, %dma_wait3A_314] : memref<2000000x64xf32, #tpu.memory_space<hbm>> -> memref<2000000x64xf32, #tpu.memory_space<hbm>>
        %dma_wait3A_316 = tpu.memref_slice %arg10[%dma_wait3A_305] : memref<4x!tpu.dma_semaphore, #tpu.memory_space<semaphore_mem>> -> memref<1x!tpu.dma_semaphore, #tpu.memory_space<semaphore_mem>>
        %dma_wait3A_317 = tpu.memref_squeeze %dma_wait3A_316 : memref<1x!tpu.dma_semaphore, #tpu.memory_space<semaphore_mem>> -> memref<!tpu.dma_semaphore, #tpu.memory_space<semaphore_mem>>
        tpu.wait_indirect_dma semaphore(%dma_wait3A_317 : memref<!tpu.dma_semaphore, #tpu.memory_space<semaphore_mem>>) src(%dma_wait3A_315 : memref<2000000x64xf32, #tpu.memory_space<hbm>>) dst(%dma_wait3A_309 : memref<256x64xf32, #tpu.memory_space<vmem>>)
        %sub3A = arith.constant 2 : i32
        %sub3A_318 = arith.subi %add3A_242, %sub3A : i32
        %add3A_319 = arith.addi %mul3A_2, %sub3A_318 : i32
        %mul3A_320 = arith.constant 256 : i32
        %mul3A_321 = arith.muli %add3A_319, %mul3A_320 : i32
        %dma_start3A_322 = arith.constant 0 : i32
        %dma_start3A_323 = arith.constant 0 : i32
        %dma_start3A_324 = arith.constant 0 : i32
        %dma_start3A_325 = arith.constant 0 : i32
        %dma_start3A_326 = tpu.memref_slice %arg8[%dma_start3A_322, %dma_start3A_324, %dma_start3A_325] : memref<4x256x64xf32, #tpu.memory_space<vmem>> -> memref<1x256x64xf32, #tpu.memory_space<vmem>>
        %dma_start3A_327 = tpu.memref_squeeze %dma_start3A_326 : memref<1x256x64xf32, #tpu.memory_space<vmem>> -> memref<256x64xf32, #tpu.memory_space<vmem>>
        %dma_start3A_328 = arith.constant 0 : i32
        %dma_start3A_329 = tpu.memref_slice %arg5[%mul3A_321, %dma_start3A_328] : memref<819200x128xf32, #tpu.memory_space<hbm>> -> memref<256x64xf32, #tpu.memory_space<hbm>>
        %dma_start3A_330 = tpu.memref_slice %arg11[%dma_start3A_323] : memref<4x!tpu.dma_semaphore, #tpu.memory_space<semaphore_mem>> -> memref<1x!tpu.dma_semaphore, #tpu.memory_space<semaphore_mem>>
        %dma_start3A_331 = tpu.memref_squeeze %dma_start3A_330 : memref<1x!tpu.dma_semaphore, #tpu.memory_space<semaphore_mem>> -> memref<!tpu.dma_semaphore, #tpu.memory_space<semaphore_mem>>
        %dma_start3A_332 = arith.constant 0 : i32
        %dma_start3A_333 = tpu.memref_slice %arg5[%mul3A_321, %dma_start3A_332] : memref<819200x128xf32, #tpu.memory_space<hbm>> -> memref<256x64xf32, #tpu.memory_space<hbm>>
        %dma_start3A_334 = arith.constant 0 : i32
        %dma_start3A_335 = arith.constant 0 : i32
        %dma_start3A_336 = tpu.memref_slice %arg8[%dma_start3A_322, %dma_start3A_334, %dma_start3A_335] : memref<4x256x64xf32, #tpu.memory_space<vmem>> -> memref<1x256x64xf32, #tpu.memory_space<vmem>>
        %dma_start3A_337 = tpu.memref_squeeze %dma_start3A_336 : memref<1x256x64xf32, #tpu.memory_space<vmem>> -> memref<256x64xf32, #tpu.memory_space<vmem>>
        tpu.enqueue_dma source(%dma_start3A_337 : memref<256x64xf32, #tpu.memory_space<vmem>>) target(%dma_start3A_333 : memref<256x64xf32, #tpu.memory_space<hbm>>) target_semaphore(%dma_start3A_331 : memref<!tpu.dma_semaphore, #tpu.memory_space<semaphore_mem>>)
      } else {
      }
      %add3A_272 = arith.constant 3 : i32
      %add3A_273 = arith.addi %add3A_181, %add3A_272 : i32
      %ge3A_274 = arith.constant 4 : i32
      %ge3A_275 = arith.cmpi sge, %add3A_273, %ge3A_274 : i32
      %convert_element_type3A_276 = arith.extui %ge3A_275 : i1 to i32
      %cond3A_277 = arith.constant 0 : i32
      %cond3A_278 = arith.cmpi ne, %convert_element_type3A_276, %cond3A_277 : i32
      scf.if %cond3A_278 {
        %dma_wait3A_303 = arith.constant 3 : i32
        %dma_wait3A_304 = arith.constant 3 : i32
        %dma_wait3A_305 = arith.constant 0 : i32
        %dma_wait3A_306 = arith.constant 0 : i32
        %dma_wait3A_307 = tpu.memref_slice %arg8[%dma_wait3A_303, %dma_wait3A_305, %dma_wait3A_306] : memref<4x256x64xf32, #tpu.memory_space<vmem>> -> memref<1x256x64xf32, #tpu.memory_space<vmem>>
        %dma_wait3A_308 = tpu.memref_squeeze %dma_wait3A_307 : memref<1x256x64xf32, #tpu.memory_space<vmem>> -> memref<256x64xf32, #tpu.memory_space<vmem>>
        %dma_wait3A_309 = arith.constant 0 : i32
        %dma_wait3A_310 = arith.constant 0 : i32
        %dma_wait3A_311 = tpu.memref_slice %arg5[%dma_wait3A_309, %dma_wait3A_310] : memref<819200x128xf32, #tpu.memory_space<hbm>> -> memref<256x64xf32, #tpu.memory_space<hbm>>
        %dma_wait3A_312 = tpu.memref_slice %arg11[%dma_wait3A_304] : memref<4x!tpu.dma_semaphore, #tpu.memory_space<semaphore_mem>> -> memref<1x!tpu.dma_semaphore, #tpu.memory_space<semaphore_mem>>
        %dma_wait3A_313 = tpu.memref_squeeze %dma_wait3A_312 : memref<1x!tpu.dma_semaphore, #tpu.memory_space<semaphore_mem>> -> memref<!tpu.dma_semaphore, #tpu.memory_space<semaphore_mem>>
        %dma_wait3A_314 = arith.constant 0 : i32
        %dma_wait3A_315 = arith.constant 0 : i32
        %dma_wait3A_316 = tpu.memref_slice %arg5[%dma_wait3A_314, %dma_wait3A_315] : memref<819200x128xf32, #tpu.memory_space<hbm>> -> memref<256x64xf32, #tpu.memory_space<hbm>>
        %dma_wait3A_317 = arith.constant 0 : i32
        %dma_wait3A_318 = arith.constant 0 : i32
        %dma_wait3A_319 = tpu.memref_slice %arg8[%dma_wait3A_303, %dma_wait3A_317, %dma_wait3A_318] : memref<4x256x64xf32, #tpu.memory_space<vmem>> -> memref<1x256x64xf32, #tpu.memory_space<vmem>>
        %dma_wait3A_320 = tpu.memref_squeeze %dma_wait3A_319 : memref<1x256x64xf32, #tpu.memory_space<vmem>> -> memref<256x64xf32, #tpu.memory_space<vmem>>
        tpu.wait_dma2 semaphore(%dma_wait3A_313 : memref<!tpu.dma_semaphore, #tpu.memory_space<semaphore_mem>>) src(%dma_wait3A_320 : memref<256x64xf32, #tpu.memory_space<vmem>>) dst(%dma_wait3A_316 : memref<256x64xf32, #tpu.memory_space<hbm>>)
      } else {
      }
      %dma_start3A_279 = arith.constant 3 : i32
      %dma_start3A_280 = arith.constant 3 : i32
      %dma_start3A_281 = arith.constant 0 : i32
      %dma_start3A_282 = arith.constant 0 : i32
      %dma_start3A_283 = tpu.memref_slice %arg8[%dma_start3A_279, %dma_start3A_281, %dma_start3A_282] : memref<4x256x64xf32, #tpu.memory_space<vmem>> -> memref<1x256x64xf32, #tpu.memory_space<vmem>>
      %dma_start3A_284 = tpu.memref_squeeze %dma_start3A_283 : memref<1x256x64xf32, #tpu.memory_space<vmem>> -> memref<256x64xf32, #tpu.memory_space<vmem>>
      %dma_start3A_285 = arith.constant 0 : i32
      %dma_start3A_286 = tpu.memref_slice %arg6[%add3A_273, %dma_start3A_285] : memref<100x256xi32, #tpu.memory_space<vmem>> -> memref<1x256xi32, #tpu.memory_space<vmem>>
      %dma_start3A_287 = tpu.memref_squeeze %dma_start3A_286 : memref<1x256xi32, #tpu.memory_space<vmem>> -> memref<256xi32, #tpu.memory_space<vmem>>
      %dma_start3A_288 = arith.constant 0 : i32
      %dma_start3A_289 = arith.constant 0 : i32
      %dma_start3A_290 = tpu.memref_slice %arg4[%dma_start3A_288, %dma_start3A_289] : memref<2000000x64xf32, #tpu.memory_space<hbm>> -> memref<2000000x64xf32, #tpu.memory_space<hbm>>
      %dma_start3A_291 = tpu.memref_slice %arg9[%dma_start3A_280] : memref<4x!tpu.dma_semaphore, #tpu.memory_space<semaphore_mem>> -> memref<1x!tpu.dma_semaphore, #tpu.memory_space<semaphore_mem>>
      %dma_start3A_292 = tpu.memref_squeeze %dma_start3A_291 : memref<1x!tpu.dma_semaphore, #tpu.memory_space<semaphore_mem>> -> memref<!tpu.dma_semaphore, #tpu.memory_space<semaphore_mem>>
      tpu.enqueue_indirect_dma source(%dma_start3A_290 : memref<2000000x64xf32, #tpu.memory_space<hbm>>) target(%dma_start3A_284 : memref<256x64xf32, #tpu.memory_space<vmem>>) offsets(%dma_start3A_287 : memref<256xi32, #tpu.memory_space<vmem>>) semaphore(%dma_start3A_292 : memref<!tpu.dma_semaphore, #tpu.memory_space<semaphore_mem>>)
      %ge3A_293 = arith.constant 1 : i32
      %ge3A_294 = arith.cmpi sge, %add3A_273, %ge3A_293 : i32
      %convert_element_type3A_295 = arith.extui %ge3A_294 : i1 to i32
      %cond3A_296 = arith.constant 0 : i32
      %cond3A_297 = arith.cmpi ne, %convert_element_type3A_295, %cond3A_296 : i32
      scf.if %cond3A_297 {
        %dma_wait3A_303 = arith.constant 0 : i32
        %dma_wait3A_304 = arith.constant 2 : i32
        %dma_wait3A_305 = arith.constant 2 : i32
        %dma_wait3A_306 = arith.constant 0 : i32
        %dma_wait3A_307 = arith.constant 0 : i32
        %dma_wait3A_308 = tpu.memref_slice %arg8[%dma_wait3A_304, %dma_wait3A_306, %dma_wait3A_307] : memref<4x256x64xf32, #tpu.memory_space<vmem>> -> memref<1x256x64xf32, #tpu.memory_space<vmem>>
        %dma_wait3A_309 = tpu.memref_squeeze %dma_wait3A_308 : memref<1x256x64xf32, #tpu.memory_space<vmem>> -> memref<256x64xf32, #tpu.memory_space<vmem>>
        %dma_wait3A_310 = arith.constant 0 : i32
        %dma_wait3A_311 = tpu.memref_slice %arg6[%dma_wait3A_303, %dma_wait3A_310] : memref<100x256xi32, #tpu.memory_space<vmem>> -> memref<1x256xi32, #tpu.memory_space<vmem>>
        %dma_wait3A_312 = tpu.memref_squeeze %dma_wait3A_311 : memref<1x256xi32, #tpu.memory_space<vmem>> -> memref<256xi32, #tpu.memory_space<vmem>>
        %dma_wait3A_313 = arith.constant 0 : i32
        %dma_wait3A_314 = arith.constant 0 : i32
        %dma_wait3A_315 = tpu.memref_slice %arg4[%dma_wait3A_313, %dma_wait3A_314] : memref<2000000x64xf32, #tpu.memory_space<hbm>> -> memref<2000000x64xf32, #tpu.memory_space<hbm>>
        %dma_wait3A_316 = tpu.memref_slice %arg9[%dma_wait3A_305] : memref<4x!tpu.dma_semaphore, #tpu.memory_space<semaphore_mem>> -> memref<1x!tpu.dma_semaphore, #tpu.memory_space<semaphore_mem>>
        %dma_wait3A_317 = tpu.memref_squeeze %dma_wait3A_316 : memref<1x!tpu.dma_semaphore, #tpu.memory_space<semaphore_mem>> -> memref<!tpu.dma_semaphore, #tpu.memory_space<semaphore_mem>>
        tpu.wait_indirect_dma semaphore(%dma_wait3A_317 : memref<!tpu.dma_semaphore, #tpu.memory_space<semaphore_mem>>) src(%dma_wait3A_315 : memref<2000000x64xf32, #tpu.memory_space<hbm>>) dst(%dma_wait3A_309 : memref<256x64xf32, #tpu.memory_space<vmem>>)
        %sub3A = arith.constant 1 : i32
        %sub3A_318 = arith.subi %add3A_273, %sub3A : i32
        %dma_start3A_319 = arith.constant 2 : i32
        %dma_start3A_320 = arith.constant 2 : i32
        %dma_start3A_321 = arith.constant 0 : i32
        %dma_start3A_322 = arith.constant 0 : i32
        %dma_start3A_323 = tpu.memref_slice %arg8[%dma_start3A_319, %dma_start3A_321, %dma_start3A_322] : memref<4x256x64xf32, #tpu.memory_space<vmem>> -> memref<1x256x64xf32, #tpu.memory_space<vmem>>
        %dma_start3A_324 = tpu.memref_squeeze %dma_start3A_323 : memref<1x256x64xf32, #tpu.memory_space<vmem>> -> memref<256x64xf32, #tpu.memory_space<vmem>>
        %dma_start3A_325 = arith.constant 0 : i32
        %dma_start3A_326 = tpu.memref_slice %arg7[%sub3A_318, %dma_start3A_325] : memref<100x256xi32, #tpu.memory_space<vmem>> -> memref<1x256xi32, #tpu.memory_space<vmem>>
        %dma_start3A_327 = tpu.memref_squeeze %dma_start3A_326 : memref<1x256xi32, #tpu.memory_space<vmem>> -> memref<256xi32, #tpu.memory_space<vmem>>
        %dma_start3A_328 = arith.constant 0 : i32
        %dma_start3A_329 = arith.constant 0 : i32
        %dma_start3A_330 = tpu.memref_slice %arg4[%dma_start3A_328, %dma_start3A_329] : memref<2000000x64xf32, #tpu.memory_space<hbm>> -> memref<2000000x64xf32, #tpu.memory_space<hbm>>
        %dma_start3A_331 = tpu.memref_slice %arg10[%dma_start3A_320] : memref<4x!tpu.dma_semaphore, #tpu.memory_space<semaphore_mem>> -> memref<1x!tpu.dma_semaphore, #tpu.memory_space<semaphore_mem>>
        %dma_start3A_332 = tpu.memref_squeeze %dma_start3A_331 : memref<1x!tpu.dma_semaphore, #tpu.memory_space<semaphore_mem>> -> memref<!tpu.dma_semaphore, #tpu.memory_space<semaphore_mem>>
        tpu.enqueue_indirect_dma source(%dma_start3A_330 : memref<2000000x64xf32, #tpu.memory_space<hbm>>) target(%dma_start3A_324 : memref<256x64xf32, #tpu.memory_space<vmem>>) offsets(%dma_start3A_327 : memref<256xi32, #tpu.memory_space<vmem>>) semaphore(%dma_start3A_332 : memref<!tpu.dma_semaphore, #tpu.memory_space<semaphore_mem>>) {add = true}
      } else {
      }
      %ge3A_298 = arith.constant 2 : i32
      %ge3A_299 = arith.cmpi sge, %add3A_273, %ge3A_298 : i32
      %convert_element_type3A_300 = arith.extui %ge3A_299 : i1 to i32
      %cond3A_301 = arith.constant 0 : i32
      %cond3A_302 = arith.cmpi ne, %convert_element_type3A_300, %cond3A_301 : i32
      scf.if %cond3A_302 {
        %dma_wait3A_303 = arith.constant 0 : i32
        %dma_wait3A_304 = arith.constant 1 : i32
        %dma_wait3A_305 = arith.constant 1 : i32
        %dma_wait3A_306 = arith.constant 0 : i32
        %dma_wait3A_307 = arith.constant 0 : i32
        %dma_wait3A_308 = tpu.memref_slice %arg8[%dma_wait3A_304, %dma_wait3A_306, %dma_wait3A_307] : memref<4x256x64xf32, #tpu.memory_space<vmem>> -> memref<1x256x64xf32, #tpu.memory_space<vmem>>
        %dma_wait3A_309 = tpu.memref_squeeze %dma_wait3A_308 : memref<1x256x64xf32, #tpu.memory_space<vmem>> -> memref<256x64xf32, #tpu.memory_space<vmem>>
        %dma_wait3A_310 = arith.constant 0 : i32
        %dma_wait3A_311 = tpu.memref_slice %arg7[%dma_wait3A_303, %dma_wait3A_310] : memref<100x256xi32, #tpu.memory_space<vmem>> -> memref<1x256xi32, #tpu.memory_space<vmem>>
        %dma_wait3A_312 = tpu.memref_squeeze %dma_wait3A_311 : memref<1x256xi32, #tpu.memory_space<vmem>> -> memref<256xi32, #tpu.memory_space<vmem>>
        %dma_wait3A_313 = arith.constant 0 : i32
        %dma_wait3A_314 = arith.constant 0 : i32
        %dma_wait3A_315 = tpu.memref_slice %arg4[%dma_wait3A_313, %dma_wait3A_314] : memref<2000000x64xf32, #tpu.memory_space<hbm>> -> memref<2000000x64xf32, #tpu.memory_space<hbm>>
        %dma_wait3A_316 = tpu.memref_slice %arg10[%dma_wait3A_305] : memref<4x!tpu.dma_semaphore, #tpu.memory_space<semaphore_mem>> -> memref<1x!tpu.dma_semaphore, #tpu.memory_space<semaphore_mem>>
        %dma_wait3A_317 = tpu.memref_squeeze %dma_wait3A_316 : memref<1x!tpu.dma_semaphore, #tpu.memory_space<semaphore_mem>> -> memref<!tpu.dma_semaphore, #tpu.memory_space<semaphore_mem>>
        tpu.wait_indirect_dma semaphore(%dma_wait3A_317 : memref<!tpu.dma_semaphore, #tpu.memory_space<semaphore_mem>>) src(%dma_wait3A_315 : memref<2000000x64xf32, #tpu.memory_space<hbm>>) dst(%dma_wait3A_309 : memref<256x64xf32, #tpu.memory_space<vmem>>)
        %sub3A = arith.constant 2 : i32
        %sub3A_318 = arith.subi %add3A_273, %sub3A : i32
        %add3A_319 = arith.addi %mul3A_2, %sub3A_318 : i32
        %mul3A_320 = arith.constant 256 : i32
        %mul3A_321 = arith.muli %add3A_319, %mul3A_320 : i32
        %dma_start3A_322 = arith.constant 1 : i32
        %dma_start3A_323 = arith.constant 1 : i32
        %dma_start3A_324 = arith.constant 0 : i32
        %dma_start3A_325 = arith.constant 0 : i32
        %dma_start3A_326 = tpu.memref_slice %arg8[%dma_start3A_322, %dma_start3A_324, %dma_start3A_325] : memref<4x256x64xf32, #tpu.memory_space<vmem>> -> memref<1x256x64xf32, #tpu.memory_space<vmem>>
        %dma_start3A_327 = tpu.memref_squeeze %dma_start3A_326 : memref<1x256x64xf32, #tpu.memory_space<vmem>> -> memref<256x64xf32, #tpu.memory_space<vmem>>
        %dma_start3A_328 = arith.constant 0 : i32
        %dma_start3A_329 = tpu.memref_slice %arg5[%mul3A_321, %dma_start3A_328] : memref<819200x128xf32, #tpu.memory_space<hbm>> -> memref<256x64xf32, #tpu.memory_space<hbm>>
        %dma_start3A_330 = tpu.memref_slice %arg11[%dma_start3A_323] : memref<4x!tpu.dma_semaphore, #tpu.memory_space<semaphore_mem>> -> memref<1x!tpu.dma_semaphore, #tpu.memory_space<semaphore_mem>>
        %dma_start3A_331 = tpu.memref_squeeze %dma_start3A_330 : memref<1x!tpu.dma_semaphore, #tpu.memory_space<semaphore_mem>> -> memref<!tpu.dma_semaphore, #tpu.memory_space<semaphore_mem>>
        %dma_start3A_332 = arith.constant 0 : i32
        %dma_start3A_333 = tpu.memref_slice %arg5[%mul3A_321, %dma_start3A_332] : memref<819200x128xf32, #tpu.memory_space<hbm>> -> memref<256x64xf32, #tpu.memory_space<hbm>>
        %dma_start3A_334 = arith.constant 0 : i32
        %dma_start3A_335 = arith.constant 0 : i32
        %dma_start3A_336 = tpu.memref_slice %arg8[%dma_start3A_322, %dma_start3A_334, %dma_start3A_335] : memref<4x256x64xf32, #tpu.memory_space<vmem>> -> memref<1x256x64xf32, #tpu.memory_space<vmem>>
        %dma_start3A_337 = tpu.memref_squeeze %dma_start3A_336 : memref<1x256x64xf32, #tpu.memory_space<vmem>> -> memref<256x64xf32, #tpu.memory_space<vmem>>
        tpu.enqueue_dma source(%dma_start3A_337 : memref<256x64xf32, #tpu.memory_space<vmem>>) target(%dma_start3A_333 : memref<256x64xf32, #tpu.memory_space<hbm>>) target_semaphore(%dma_start3A_331 : memref<!tpu.dma_semaphore, #tpu.memory_space<semaphore_mem>>)
      } else {
      }
    }
    %scan3A_6 = arith.constant 25 : i32
    %dma_wait3A = arith.constant 0 : i32
    %dma_wait3A_7 = arith.constant 3 : i32
    %dma_wait3A_8 = arith.constant 3 : i32
    %dma_wait3A_9 = arith.constant 0 : i32
    %dma_wait3A_10 = arith.constant 0 : i32
    %dma_wait3A_11 = tpu.memref_slice %arg8[%dma_wait3A_7, %dma_wait3A_9, %dma_wait3A_10] : memref<4x256x64xf32, #tpu.memory_space<vmem>> -> memref<1x256x64xf32, #tpu.memory_space<vmem>>
    %dma_wait3A_12 = tpu.memref_squeeze %dma_wait3A_11 : memref<1x256x64xf32, #tpu.memory_space<vmem>> -> memref<256x64xf32, #tpu.memory_space<vmem>>
    %dma_wait3A_13 = arith.constant 0 : i32
    %dma_wait3A_14 = tpu.memref_slice %arg6[%dma_wait3A, %dma_wait3A_13] : memref<100x256xi32, #tpu.memory_space<vmem>> -> memref<1x256xi32, #tpu.memory_space<vmem>>
    %dma_wait3A_15 = tpu.memref_squeeze %dma_wait3A_14 : memref<1x256xi32, #tpu.memory_space<vmem>> -> memref<256xi32, #tpu.memory_space<vmem>>
    %dma_wait3A_16 = arith.constant 0 : i32
    %dma_wait3A_17 = arith.constant 0 : i32
    %dma_wait3A_18 = tpu.memref_slice %arg4[%dma_wait3A_16, %dma_wait3A_17] : memref<2000000x64xf32, #tpu.memory_space<hbm>> -> memref<2000000x64xf32, #tpu.memory_space<hbm>>
    %dma_wait3A_19 = tpu.memref_slice %arg9[%dma_wait3A_8] : memref<4x!tpu.dma_semaphore, #tpu.memory_space<semaphore_mem>> -> memref<1x!tpu.dma_semaphore, #tpu.memory_space<semaphore_mem>>
    %dma_wait3A_20 = tpu.memref_squeeze %dma_wait3A_19 : memref<1x!tpu.dma_semaphore, #tpu.memory_space<semaphore_mem>> -> memref<!tpu.dma_semaphore, #tpu.memory_space<semaphore_mem>>
    tpu.wait_indirect_dma semaphore(%dma_wait3A_20 : memref<!tpu.dma_semaphore, #tpu.memory_space<semaphore_mem>>) src(%dma_wait3A_18 : memref<2000000x64xf32, #tpu.memory_space<hbm>>) dst(%dma_wait3A_12 : memref<256x64xf32, #tpu.memory_space<vmem>>)
    %dma_start3A = arith.constant 99 : i32
    %dma_start3A_21 = arith.constant 3 : i32
    %dma_start3A_22 = arith.constant 3 : i32
    %dma_start3A_23 = arith.constant 0 : i32
    %dma_start3A_24 = arith.constant 0 : i32
    %dma_start3A_25 = tpu.memref_slice %arg8[%dma_start3A_21, %dma_start3A_23, %dma_start3A_24] : memref<4x256x64xf32, #tpu.memory_space<vmem>> -> memref<1x256x64xf32, #tpu.memory_space<vmem>>
    %dma_start3A_26 = tpu.memref_squeeze %dma_start3A_25 : memref<1x256x64xf32, #tpu.memory_space<vmem>> -> memref<256x64xf32, #tpu.memory_space<vmem>>
    %dma_start3A_27 = arith.constant 0 : i32
    %dma_start3A_28 = tpu.memref_slice %arg7[%dma_start3A, %dma_start3A_27] : memref<100x256xi32, #tpu.memory_space<vmem>> -> memref<1x256xi32, #tpu.memory_space<vmem>>
    %dma_start3A_29 = tpu.memref_squeeze %dma_start3A_28 : memref<1x256xi32, #tpu.memory_space<vmem>> -> memref<256xi32, #tpu.memory_space<vmem>>
    %dma_start3A_30 = arith.constant 0 : i32
    %dma_start3A_31 = arith.constant 0 : i32
    %dma_start3A_32 = tpu.memref_slice %arg4[%dma_start3A_30, %dma_start3A_31] : memref<2000000x64xf32, #tpu.memory_space<hbm>> -> memref<2000000x64xf32, #tpu.memory_space<hbm>>
    %dma_start3A_33 = tpu.memref_slice %arg10[%dma_start3A_22] : memref<4x!tpu.dma_semaphore, #tpu.memory_space<semaphore_mem>> -> memref<1x!tpu.dma_semaphore, #tpu.memory_space<semaphore_mem>>
    %dma_start3A_34 = tpu.memref_squeeze %dma_start3A_33 : memref<1x!tpu.dma_semaphore, #tpu.memory_space<semaphore_mem>> -> memref<!tpu.dma_semaphore, #tpu.memory_space<semaphore_mem>>
    tpu.enqueue_indirect_dma source(%dma_start3A_32 : memref<2000000x64xf32, #tpu.memory_space<hbm>>) target(%dma_start3A_26 : memref<256x64xf32, #tpu.memory_space<vmem>>) offsets(%dma_start3A_29 : memref<256xi32, #tpu.memory_space<vmem>>) semaphore(%dma_start3A_34 : memref<!tpu.dma_semaphore, #tpu.memory_space<semaphore_mem>>) {add = true}
    %dma_wait3A_35 = arith.constant 0 : i32
    %dma_wait3A_36 = arith.constant 2 : i32
    %dma_wait3A_37 = arith.constant 2 : i32
    %dma_wait3A_38 = arith.constant 0 : i32
    %dma_wait3A_39 = arith.constant 0 : i32
    %dma_wait3A_40 = tpu.memref_slice %arg8[%dma_wait3A_36, %dma_wait3A_38, %dma_wait3A_39] : memref<4x256x64xf32, #tpu.memory_space<vmem>> -> memref<1x256x64xf32, #tpu.memory_space<vmem>>
    %dma_wait3A_41 = tpu.memref_squeeze %dma_wait3A_40 : memref<1x256x64xf32, #tpu.memory_space<vmem>> -> memref<256x64xf32, #tpu.memory_space<vmem>>
    %dma_wait3A_42 = arith.constant 0 : i32
    %dma_wait3A_43 = tpu.memref_slice %arg7[%dma_wait3A_35, %dma_wait3A_42] : memref<100x256xi32, #tpu.memory_space<vmem>> -> memref<1x256xi32, #tpu.memory_space<vmem>>
    %dma_wait3A_44 = tpu.memref_squeeze %dma_wait3A_43 : memref<1x256xi32, #tpu.memory_space<vmem>> -> memref<256xi32, #tpu.memory_space<vmem>>
    %dma_wait3A_45 = arith.constant 0 : i32
    %dma_wait3A_46 = arith.constant 0 : i32
    %dma_wait3A_47 = tpu.memref_slice %arg4[%dma_wait3A_45, %dma_wait3A_46] : memref<2000000x64xf32, #tpu.memory_space<hbm>> -> memref<2000000x64xf32, #tpu.memory_space<hbm>>
    %dma_wait3A_48 = tpu.memref_slice %arg10[%dma_wait3A_37] : memref<4x!tpu.dma_semaphore, #tpu.memory_space<semaphore_mem>> -> memref<1x!tpu.dma_semaphore, #tpu.memory_space<semaphore_mem>>
    %dma_wait3A_49 = tpu.memref_squeeze %dma_wait3A_48 : memref<1x!tpu.dma_semaphore, #tpu.memory_space<semaphore_mem>> -> memref<!tpu.dma_semaphore, #tpu.memory_space<semaphore_mem>>
    tpu.wait_indirect_dma semaphore(%dma_wait3A_49 : memref<!tpu.dma_semaphore, #tpu.memory_space<semaphore_mem>>) src(%dma_wait3A_47 : memref<2000000x64xf32, #tpu.memory_space<hbm>>) dst(%dma_wait3A_41 : memref<256x64xf32, #tpu.memory_space<vmem>>)
    %add3A_50 = arith.constant 98 : i32
    %add3A_51 = arith.addi %mul3A_2, %add3A_50 : i32
    %mul3A_52 = arith.constant 256 : i32
    %mul3A_53 = arith.muli %add3A_51, %mul3A_52 : i32
    %dma_start3A_54 = arith.constant 2 : i32
    %dma_start3A_55 = arith.constant 2 : i32
    %dma_start3A_56 = arith.constant 0 : i32
    %dma_start3A_57 = arith.constant 0 : i32
    %dma_start3A_58 = tpu.memref_slice %arg8[%dma_start3A_54, %dma_start3A_56, %dma_start3A_57] : memref<4x256x64xf32, #tpu.memory_space<vmem>> -> memref<1x256x64xf32, #tpu.memory_space<vmem>>
    %dma_start3A_59 = tpu.memref_squeeze %dma_start3A_58 : memref<1x256x64xf32, #tpu.memory_space<vmem>> -> memref<256x64xf32, #tpu.memory_space<vmem>>
    %dma_start3A_60 = arith.constant 0 : i32
    %dma_start3A_61 = tpu.memref_slice %arg5[%mul3A_53, %dma_start3A_60] : memref<819200x128xf32, #tpu.memory_space<hbm>> -> memref<256x64xf32, #tpu.memory_space<hbm>>
    %dma_start3A_62 = tpu.memref_slice %arg11[%dma_start3A_55] : memref<4x!tpu.dma_semaphore, #tpu.memory_space<semaphore_mem>> -> memref<1x!tpu.dma_semaphore, #tpu.memory_space<semaphore_mem>>
    %dma_start3A_63 = tpu.memref_squeeze %dma_start3A_62 : memref<1x!tpu.dma_semaphore, #tpu.memory_space<semaphore_mem>> -> memref<!tpu.dma_semaphore, #tpu.memory_space<semaphore_mem>>
    %dma_start3A_64 = arith.constant 0 : i32
    %dma_start3A_65 = tpu.memref_slice %arg5[%mul3A_53, %dma_start3A_64] : memref<819200x128xf32, #tpu.memory_space<hbm>> -> memref<256x64xf32, #tpu.memory_space<hbm>>
    %dma_start3A_66 = arith.constant 0 : i32
    %dma_start3A_67 = arith.constant 0 : i32
    %dma_start3A_68 = tpu.memref_slice %arg8[%dma_start3A_54, %dma_start3A_66, %dma_start3A_67] : memref<4x256x64xf32, #tpu.memory_space<vmem>> -> memref<1x256x64xf32, #tpu.memory_space<vmem>>
    %dma_start3A_69 = tpu.memref_squeeze %dma_start3A_68 : memref<1x256x64xf32, #tpu.memory_space<vmem>> -> memref<256x64xf32, #tpu.memory_space<vmem>>
    tpu.enqueue_dma source(%dma_start3A_69 : memref<256x64xf32, #tpu.memory_space<vmem>>) target(%dma_start3A_65 : memref<256x64xf32, #tpu.memory_space<hbm>>) target_semaphore(%dma_start3A_63 : memref<!tpu.dma_semaphore, #tpu.memory_space<semaphore_mem>>)
    %dma_wait3A_70 = arith.constant 0 : i32
    %dma_wait3A_71 = arith.constant 3 : i32
    %dma_wait3A_72 = arith.constant 3 : i32
    %dma_wait3A_73 = arith.constant 0 : i32
    %dma_wait3A_74 = arith.constant 0 : i32
    %dma_wait3A_75 = tpu.memref_slice %arg8[%dma_wait3A_71, %dma_wait3A_73, %dma_wait3A_74] : memref<4x256x64xf32, #tpu.memory_space<vmem>> -> memref<1x256x64xf32, #tpu.memory_space<vmem>>
    %dma_wait3A_76 = tpu.memref_squeeze %dma_wait3A_75 : memref<1x256x64xf32, #tpu.memory_space<vmem>> -> memref<256x64xf32, #tpu.memory_space<vmem>>
    %dma_wait3A_77 = arith.constant 0 : i32
    %dma_wait3A_78 = tpu.memref_slice %arg7[%dma_wait3A_70, %dma_wait3A_77] : memref<100x256xi32, #tpu.memory_space<vmem>> -> memref<1x256xi32, #tpu.memory_space<vmem>>
    %dma_wait3A_79 = tpu.memref_squeeze %dma_wait3A_78 : memref<1x256xi32, #tpu.memory_space<vmem>> -> memref<256xi32, #tpu.memory_space<vmem>>
    %dma_wait3A_80 = arith.constant 0 : i32
    %dma_wait3A_81 = arith.constant 0 : i32
    %dma_wait3A_82 = tpu.memref_slice %arg4[%dma_wait3A_80, %dma_wait3A_81] : memref<2000000x64xf32, #tpu.memory_space<hbm>> -> memref<2000000x64xf32, #tpu.memory_space<hbm>>
    %dma_wait3A_83 = tpu.memref_slice %arg10[%dma_wait3A_72] : memref<4x!tpu.dma_semaphore, #tpu.memory_space<semaphore_mem>> -> memref<1x!tpu.dma_semaphore, #tpu.memory_space<semaphore_mem>>
    %dma_wait3A_84 = tpu.memref_squeeze %dma_wait3A_83 : memref<1x!tpu.dma_semaphore, #tpu.memory_space<semaphore_mem>> -> memref<!tpu.dma_semaphore, #tpu.memory_space<semaphore_mem>>
    tpu.wait_indirect_dma semaphore(%dma_wait3A_84 : memref<!tpu.dma_semaphore, #tpu.memory_space<semaphore_mem>>) src(%dma_wait3A_82 : memref<2000000x64xf32, #tpu.memory_space<hbm>>) dst(%dma_wait3A_76 : memref<256x64xf32, #tpu.memory_space<vmem>>)
    %add3A_85 = arith.constant 99 : i32
    %add3A_86 = arith.addi %mul3A_2, %add3A_85 : i32
    %mul3A_87 = arith.constant 256 : i32
    %mul3A_88 = arith.muli %add3A_86, %mul3A_87 : i32
    %dma_start3A_89 = arith.constant 3 : i32
    %dma_start3A_90 = arith.constant 3 : i32
    %dma_start3A_91 = arith.constant 0 : i32
    %dma_start3A_92 = arith.constant 0 : i32
    %dma_start3A_93 = tpu.memref_slice %arg8[%dma_start3A_89, %dma_start3A_91, %dma_start3A_92] : memref<4x256x64xf32, #tpu.memory_space<vmem>> -> memref<1x256x64xf32, #tpu.memory_space<vmem>>
    %dma_start3A_94 = tpu.memref_squeeze %dma_start3A_93 : memref<1x256x64xf32, #tpu.memory_space<vmem>> -> memref<256x64xf32, #tpu.memory_space<vmem>>
    %dma_start3A_95 = arith.constant 0 : i32
    %dma_start3A_96 = tpu.memref_slice %arg5[%mul3A_88, %dma_start3A_95] : memref<819200x128xf32, #tpu.memory_space<hbm>> -> memref<256x64xf32, #tpu.memory_space<hbm>>
    %dma_start3A_97 = tpu.memref_slice %arg11[%dma_start3A_90] : memref<4x!tpu.dma_semaphore, #tpu.memory_space<semaphore_mem>> -> memref<1x!tpu.dma_semaphore, #tpu.memory_space<semaphore_mem>>
    %dma_start3A_98 = tpu.memref_squeeze %dma_start3A_97 : memref<1x!tpu.dma_semaphore, #tpu.memory_space<semaphore_mem>> -> memref<!tpu.dma_semaphore, #tpu.memory_space<semaphore_mem>>
    %dma_start3A_99 = arith.constant 0 : i32
    %dma_start3A_100 = tpu.memref_slice %arg5[%mul3A_88, %dma_start3A_99] : memref<819200x128xf32, #tpu.memory_space<hbm>> -> memref<256x64xf32, #tpu.memory_space<hbm>>
    %dma_start3A_101 = arith.constant 0 : i32
    %dma_start3A_102 = arith.constant 0 : i32
    %dma_start3A_103 = tpu.memref_slice %arg8[%dma_start3A_89, %dma_start3A_101, %dma_start3A_102] : memref<4x256x64xf32, #tpu.memory_space<vmem>> -> memref<1x256x64xf32, #tpu.memory_space<vmem>>
    %dma_start3A_104 = tpu.memref_squeeze %dma_start3A_103 : memref<1x256x64xf32, #tpu.memory_space<vmem>> -> memref<256x64xf32, #tpu.memory_space<vmem>>
    tpu.enqueue_dma source(%dma_start3A_104 : memref<256x64xf32, #tpu.memory_space<vmem>>) target(%dma_start3A_100 : memref<256x64xf32, #tpu.memory_space<hbm>>) target_semaphore(%dma_start3A_98 : memref<!tpu.dma_semaphore, #tpu.memory_space<semaphore_mem>>)
    %dma_wait3A_105 = arith.constant 0 : i32
    %dma_wait3A_106 = arith.constant 0 : i32
    %dma_wait3A_107 = arith.constant 0 : i32
    %dma_wait3A_108 = arith.constant 0 : i32
    %dma_wait3A_109 = tpu.memref_slice %arg8[%dma_wait3A_105, %dma_wait3A_107, %dma_wait3A_108] : memref<4x256x64xf32, #tpu.memory_space<vmem>> -> memref<1x256x64xf32, #tpu.memory_space<vmem>>
    %dma_wait3A_110 = tpu.memref_squeeze %dma_wait3A_109 : memref<1x256x64xf32, #tpu.memory_space<vmem>> -> memref<256x64xf32, #tpu.memory_space<vmem>>
    %dma_wait3A_111 = arith.constant 0 : i32
    %dma_wait3A_112 = arith.constant 0 : i32
    %dma_wait3A_113 = tpu.memref_slice %arg5[%dma_wait3A_111, %dma_wait3A_112] : memref<819200x128xf32, #tpu.memory_space<hbm>> -> memref<256x64xf32, #tpu.memory_space<hbm>>
    %dma_wait3A_114 = tpu.memref_slice %arg11[%dma_wait3A_106] : memref<4x!tpu.dma_semaphore, #tpu.memory_space<semaphore_mem>> -> memref<1x!tpu.dma_semaphore, #tpu.memory_space<semaphore_mem>>
    %dma_wait3A_115 = tpu.memref_squeeze %dma_wait3A_114 : memref<1x!tpu.dma_semaphore, #tpu.memory_space<semaphore_mem>> -> memref<!tpu.dma_semaphore, #tpu.memory_space<semaphore_mem>>
    %dma_wait3A_116 = arith.constant 0 : i32
    %dma_wait3A_117 = arith.constant 0 : i32
    %dma_wait3A_118 = tpu.memref_slice %arg5[%dma_wait3A_116, %dma_wait3A_117] : memref<819200x128xf32, #tpu.memory_space<hbm>> -> memref<256x64xf32, #tpu.memory_space<hbm>>
    %dma_wait3A_119 = arith.constant 0 : i32
    %dma_wait3A_120 = arith.constant 0 : i32
    %dma_wait3A_121 = tpu.memref_slice %arg8[%dma_wait3A_105, %dma_wait3A_119, %dma_wait3A_120] : memref<4x256x64xf32, #tpu.memory_space<vmem>> -> memref<1x256x64xf32, #tpu.memory_space<vmem>>
    %dma_wait3A_122 = tpu.memref_squeeze %dma_wait3A_121 : memref<1x256x64xf32, #tpu.memory_space<vmem>> -> memref<256x64xf32, #tpu.memory_space<vmem>>
    tpu.wait_dma2 semaphore(%dma_wait3A_115 : memref<!tpu.dma_semaphore, #tpu.memory_space<semaphore_mem>>) src(%dma_wait3A_122 : memref<256x64xf32, #tpu.memory_space<vmem>>) dst(%dma_wait3A_118 : memref<256x64xf32, #tpu.memory_space<hbm>>)
    %dma_wait3A_123 = arith.constant 1 : i32
    %dma_wait3A_124 = arith.constant 1 : i32
    %dma_wait3A_125 = arith.constant 0 : i32
    %dma_wait3A_126 = arith.constant 0 : i32
    %dma_wait3A_127 = tpu.memref_slice %arg8[%dma_wait3A_123, %dma_wait3A_125, %dma_wait3A_126] : memref<4x256x64xf32, #tpu.memory_space<vmem>> -> memref<1x256x64xf32, #tpu.memory_space<vmem>>
    %dma_wait3A_128 = tpu.memref_squeeze %dma_wait3A_127 : memref<1x256x64xf32, #tpu.memory_space<vmem>> -> memref<256x64xf32, #tpu.memory_space<vmem>>
    %dma_wait3A_129 = arith.constant 0 : i32
    %dma_wait3A_130 = arith.constant 0 : i32
    %dma_wait3A_131 = tpu.memref_slice %arg5[%dma_wait3A_129, %dma_wait3A_130] : memref<819200x128xf32, #tpu.memory_space<hbm>> -> memref<256x64xf32, #tpu.memory_space<hbm>>
    %dma_wait3A_132 = tpu.memref_slice %arg11[%dma_wait3A_124] : memref<4x!tpu.dma_semaphore, #tpu.memory_space<semaphore_mem>> -> memref<1x!tpu.dma_semaphore, #tpu.memory_space<semaphore_mem>>
    %dma_wait3A_133 = tpu.memref_squeeze %dma_wait3A_132 : memref<1x!tpu.dma_semaphore, #tpu.memory_space<semaphore_mem>> -> memref<!tpu.dma_semaphore, #tpu.memory_space<semaphore_mem>>
    %dma_wait3A_134 = arith.constant 0 : i32
    %dma_wait3A_135 = arith.constant 0 : i32
    %dma_wait3A_136 = tpu.memref_slice %arg5[%dma_wait3A_134, %dma_wait3A_135] : memref<819200x128xf32, #tpu.memory_space<hbm>> -> memref<256x64xf32, #tpu.memory_space<hbm>>
    %dma_wait3A_137 = arith.constant 0 : i32
    %dma_wait3A_138 = arith.constant 0 : i32
    %dma_wait3A_139 = tpu.memref_slice %arg8[%dma_wait3A_123, %dma_wait3A_137, %dma_wait3A_138] : memref<4x256x64xf32, #tpu.memory_space<vmem>> -> memref<1x256x64xf32, #tpu.memory_space<vmem>>
    %dma_wait3A_140 = tpu.memref_squeeze %dma_wait3A_139 : memref<1x256x64xf32, #tpu.memory_space<vmem>> -> memref<256x64xf32, #tpu.memory_space<vmem>>
    tpu.wait_dma2 semaphore(%dma_wait3A_133 : memref<!tpu.dma_semaphore, #tpu.memory_space<semaphore_mem>>) src(%dma_wait3A_140 : memref<256x64xf32, #tpu.memory_space<vmem>>) dst(%dma_wait3A_136 : memref<256x64xf32, #tpu.memory_space<hbm>>)
    %dma_wait3A_141 = arith.constant 2 : i32
    %dma_wait3A_142 = arith.constant 2 : i32
    %dma_wait3A_143 = arith.constant 0 : i32
    %dma_wait3A_144 = arith.constant 0 : i32
    %dma_wait3A_145 = tpu.memref_slice %arg8[%dma_wait3A_141, %dma_wait3A_143, %dma_wait3A_144] : memref<4x256x64xf32, #tpu.memory_space<vmem>> -> memref<1x256x64xf32, #tpu.memory_space<vmem>>
    %dma_wait3A_146 = tpu.memref_squeeze %dma_wait3A_145 : memref<1x256x64xf32, #tpu.memory_space<vmem>> -> memref<256x64xf32, #tpu.memory_space<vmem>>
    %dma_wait3A_147 = arith.constant 0 : i32
    %dma_wait3A_148 = arith.constant 0 : i32
    %dma_wait3A_149 = tpu.memref_slice %arg5[%dma_wait3A_147, %dma_wait3A_148] : memref<819200x128xf32, #tpu.memory_space<hbm>> -> memref<256x64xf32, #tpu.memory_space<hbm>>
    %dma_wait3A_150 = tpu.memref_slice %arg11[%dma_wait3A_142] : memref<4x!tpu.dma_semaphore, #tpu.memory_space<semaphore_mem>> -> memref<1x!tpu.dma_semaphore, #tpu.memory_space<semaphore_mem>>
    %dma_wait3A_151 = tpu.memref_squeeze %dma_wait3A_150 : memref<1x!tpu.dma_semaphore, #tpu.memory_space<semaphore_mem>> -> memref<!tpu.dma_semaphore, #tpu.memory_space<semaphore_mem>>
    %dma_wait3A_152 = arith.constant 0 : i32
    %dma_wait3A_153 = arith.constant 0 : i32
    %dma_wait3A_154 = tpu.memref_slice %arg5[%dma_wait3A_152, %dma_wait3A_153] : memref<819200x128xf32, #tpu.memory_space<hbm>> -> memref<256x64xf32, #tpu.memory_space<hbm>>
    %dma_wait3A_155 = arith.constant 0 : i32
    %dma_wait3A_156 = arith.constant 0 : i32
    %dma_wait3A_157 = tpu.memref_slice %arg8[%dma_wait3A_141, %dma_wait3A_155, %dma_wait3A_156] : memref<4x256x64xf32, #tpu.memory_space<vmem>> -> memref<1x256x64xf32, #tpu.memory_space<vmem>>
    %dma_wait3A_158 = tpu.memref_squeeze %dma_wait3A_157 : memref<1x256x64xf32, #tpu.memory_space<vmem>> -> memref<256x64xf32, #tpu.memory_space<vmem>>
    tpu.wait_dma2 semaphore(%dma_wait3A_151 : memref<!tpu.dma_semaphore, #tpu.memory_space<semaphore_mem>>) src(%dma_wait3A_158 : memref<256x64xf32, #tpu.memory_space<vmem>>) dst(%dma_wait3A_154 : memref<256x64xf32, #tpu.memory_space<hbm>>)
    %dma_wait3A_159 = arith.constant 3 : i32
    %dma_wait3A_160 = arith.constant 3 : i32
    %dma_wait3A_161 = arith.constant 0 : i32
    %dma_wait3A_162 = arith.constant 0 : i32
    %dma_wait3A_163 = tpu.memref_slice %arg8[%dma_wait3A_159, %dma_wait3A_161, %dma_wait3A_162] : memref<4x256x64xf32, #tpu.memory_space<vmem>> -> memref<1x256x64xf32, #tpu.memory_space<vmem>>
    %dma_wait3A_164 = tpu.memref_squeeze %dma_wait3A_163 : memref<1x256x64xf32, #tpu.memory_space<vmem>> -> memref<256x64xf32, #tpu.memory_space<vmem>>
    %dma_wait3A_165 = arith.constant 0 : i32
    %dma_wait3A_166 = arith.constant 0 : i32
    %dma_wait3A_167 = tpu.memref_slice %arg5[%dma_wait3A_165, %dma_wait3A_166] : memref<819200x128xf32, #tpu.memory_space<hbm>> -> memref<256x64xf32, #tpu.memory_space<hbm>>
    %dma_wait3A_168 = tpu.memref_slice %arg11[%dma_wait3A_160] : memref<4x!tpu.dma_semaphore, #tpu.memory_space<semaphore_mem>> -> memref<1x!tpu.dma_semaphore, #tpu.memory_space<semaphore_mem>>
    %dma_wait3A_169 = tpu.memref_squeeze %dma_wait3A_168 : memref<1x!tpu.dma_semaphore, #tpu.memory_space<semaphore_mem>> -> memref<!tpu.dma_semaphore, #tpu.memory_space<semaphore_mem>>
    %dma_wait3A_170 = arith.constant 0 : i32
    %dma_wait3A_171 = arith.constant 0 : i32
    %dma_wait3A_172 = tpu.memref_slice %arg5[%dma_wait3A_170, %dma_wait3A_171] : memref<819200x128xf32, #tpu.memory_space<hbm>> -> memref<256x64xf32, #tpu.memory_space<hbm>>
    %dma_wait3A_173 = arith.constant 0 : i32
    %dma_wait3A_174 = arith.constant 0 : i32
    %dma_wait3A_175 = tpu.memref_slice %arg8[%dma_wait3A_159, %dma_wait3A_173, %dma_wait3A_174] : memref<4x256x64xf32, #tpu.memory_space<vmem>> -> memref<1x256x64xf32, #tpu.memory_space<vmem>>
    %dma_wait3A_176 = tpu.memref_squeeze %dma_wait3A_175 : memref<1x256x64xf32, #tpu.memory_space<vmem>> -> memref<256x64xf32, #tpu.memory_space<vmem>>
    tpu.wait_dma2 semaphore(%dma_wait3A_169 : memref<!tpu.dma_semaphore, #tpu.memory_space<semaphore_mem>>) src(%dma_wait3A_176 : memref<256x64xf32, #tpu.memory_space<vmem>>) dst(%dma_wait3A_172 : memref<256x64xf32, #tpu.memory_space<hbm>>)
    return
  }
}

</mosaic_0001>

<sc_bundles>
// kernel: _run.3.cloned.1.call-start
scs
__scs_entry_jumppad:
0x0: {  	(pc) =	sbr.rel $0x88, $3  }
0x1: {  	(tag) =	ssettag $0x0;
	lr =	simm.s32 $0x1  }
0x2: {  	[smem:$0x3F9E] =	sst lr;
	_ =	strace $0xD0000000  }
0x3: {  	_ = 	snop  }
0x4: {  	_ = 	snop  }
0x5: {  	_ = 	snop  }
0x6: {  	_ = 	snop  }
0x7: {  	_ = 	snop  }
__scs_overlays_trampoline_lowered:
0x8: {  	[smem:$0x3FAD] =	sst s0  }
0x9: {  	[smem:$0x3FAE] =	sst s1  }
0xa: {  	[smem:$0x3FAF] =	sst s2  }
0xb: {  	[smem:$0x3FB0] =	sst s3  }
0xc: {  	[smem:$0x3FB1] =	sst s4  }
0xd: {  	[smem:$0x3FB2] =	sst s5  }
0xe: {  	[smem:$0x3FB3] =	sst s6  }
0xf: {  	[smem:$0x3FB4] =	sst s7  }
0x10: {  	[smem:$0x3FB5] =	sst s8  }
0x11: {  	[smem:$0x3FB6] =	sst s9;
	s0 =	simm.s32 @!p0 $0x0  }
0x12: {  	s1 =	sld [smem:$0x3F9C];
	s0 =	simm.s32 @p0 $0x1  }
0x13: {  	[smem:$0x3FB7] =	sst s0;
	s0 =	simm.s32 @!p1 $0x0  }
0x14: {  	s2 =	sld [smem:$0x3F9B];
	s0 =	simm.s32 @p1 $0x1  }
0x15: {  	[smem:$0x3FB8] =	sst s0;
	s0 =	simm.s32 @!p2 $0x0  }
0x16: {  	s3 =	sld [smem:$0x3FDB];
	s0 =	simm.s32 @p2 $0x1  }
0x17: {  	s4 =	simm.s32 $0x1BF5;
	[smem:$0x3FBA] =	sst s0  }
0x18: {  	s0 =	sld [smem:$0x3F9D];
	_ =	swait.ge [sflag:s4], $0x0  }
0x19: {  	s7 =	sld [smem:$0x3F9E]  }
0x1a: {  	s8 =	sadd.s32 $0xFFFFE003, lr  }
0x1b: {  	s9 =	sadd.s32 $0xFFFFFEF7, lr;
	s5 =	simm.s32 $0xFFFFFFFF;
	p2 =	slt.u32 s8, $0xFFFFF086  }
0x1c: {  	p1 =	slt.u32 s9, $0xF7A;
	s5 =	simm.s32 @!p2 $0x0  }
0x1d: {  	s5 =	simm.s32 @p1 $0x1;
	p0 =	seq.s32 s7, s2  }
0x1e: {  	s7 =	smul.u32 @!p0 $0xF7A, s2;
	p2 =	seq.s32 @!p0 s5, $0x0  }
0x1f: {  	s9 =	smul.u32 $0xF7A, s1;
	s8 =	simm.s32 @!p0 $0x1BF5;
	p2 =	por !p2, p0  }
0x20: {  	[sflag:s8] =	ssyncset.s32 @!p0 $0xFFFFF086;
	s6 =	sadd.s32 @!p0 s3, s7;
	s7 =	simm.s32 @!p0 $0x108  }
0x21: {  	s3 =	sadd.s32 s3, s9;
	s6 =	sadd.s32 @!p0 $0x88, s6;
	s7 =	simm.s32 @p2 $0x1082  }
0x22: {  	[simem:s7], [sflag:s8] =	dma.local @!p0 [hbm:s6], $0xF7A  }
0x23: {  	s9 =	sor.u32 $0xD0000000, s2;
	s6 =	simm.s32 $0x108;
	_ =	swait.ge @!p0 [sflag:s8], $0x0  }
0x24: {  	s3 =	sadd.s32 $0x88, s3;
	s6 =	simm.s32 @!p1 $0x1082;
	[sflag:s4] =	ssyncset.s32 $0xFFFFF086  }
0x25: {  	[simem:s6], [sflag:s4] =	dma.local [hbm:s3], $0xF7A  }
0x26: {  	[smem:$0x3F9E] =	sst s1;
	(tag) =	ssettag s2;
	_ =	strace s9  }
0x27: {  	s1 =	sld [smem:$0x3FAE]  }
0x28: {  	s2 =	sld [smem:$0x3FAF]  }
0x29: {  	s4 =	sld [smem:$0x3FB1]  }
0x2a: {  	p0 =	seq.s32 s5, $0x0;
	s5 =	sld [smem:$0x3FB2]  }
0x2b: {  	s6 =	sld [smem:$0x3FB3]  }
0x2c: {  	s7 =	sld [smem:$0x3FB4]  }
0x2d: {  	s3 =	simm.s32 $0x108;
	s8 =	sld [smem:$0x3FB5]  }
0x2e: {  	s3 =	simm.s32 @!p0 $0x1082;
	s9 =	sld [smem:$0x3FB6]  }
0x2f: {  	lr =	sadd.s32 s0, s3;
	s0 =	sld [smem:$0x3FAD]  }
0x30: {  	s3 =	sld [smem:$0x3FB0]  }
0x31: {  	[smem:$0x3FB9] =	sst s10  }
0x32: {  	s10 =	sld [smem:$0x3FB7];
	_ =	sdelay $0x3  }
0x33: {  	p0 =	seq.s32 s10, $0x1;
	s10 =	sld [smem:$0x3FB9];
	_ =	sdelay $0x3  }
0x34: {  	[smem:$0x3FB9] =	sst s10  }
0x35: {  	s10 =	sld [smem:$0x3FB8];
	_ =	sdelay $0x3  }
0x36: {  	p1 =	seq.s32 s10, $0x1;
	s10 =	sld [smem:$0x3FB9];
	_ =	sdelay $0x3  }
0x37: {  	[smem:$0x3FB9] =	sst s10  }
0x38: {  	s10 =	sld [smem:$0x3FBA]  }
0x39: {  	_ = 	snop;
	(pc) =	sbr.ind lr, $3  }
0x3a: {  	_ = 	snop  }
0x3b: {  	_ = 	snop  }
0x3c: {  	p2 =	seq.s32 s10, $0x1;
	s10 =	sld [smem:$0x3FB9]  }
0x3d: {  	_ =	shalt  }
0x3e: {  	_ =	shalt  }
0x3f: {  	_ =	shalt  }
0x40: {  	_ =	shalt  }
0x41: {  	_ =	shalt  }
0x42: {  	_ =	shalt  }
0x43: {  	_ =	shalt  }
0x44: {  	_ =	shalt  }
0x45: {  	_ =	shalt  }
0x46: {  	_ =	shalt  }
0x47: {  	_ =	shalt  }
0x48: {  	_ =	shalt  }
0x49: {  	_ =	shalt  }
0x4a: {  	_ =	shalt  }
0x4b: {  	_ =	shalt  }
0x4c: {  	_ =	shalt  }
0x4d: {  	_ =	shalt  }
0x4e: {  	_ =	shalt  }
0x4f: {  	_ =	shalt  }
0x50: {  	_ =	shalt  }
0x51: {  	_ =	shalt  }
0x52: {  	_ =	shalt  }
0x53: {  	_ =	shalt  }
0x54: {  	_ =	shalt  }
0x55: {  	_ =	shalt  }
0x56: {  	_ =	shalt  }
0x57: {  	_ =	shalt  }
0x58: {  	_ =	shalt  }
0x59: {  	_ =	shalt  }
0x5a: {  	_ =	shalt  }
0x5b: {  	_ =	shalt  }
0x5c: {  	_ =	shalt  }
0x5d: {  	_ =	shalt  }
0x5e: {  	_ =	shalt  }
0x5f: {  	_ =	shalt  }
0x60: {  	_ =	shalt  }
0x61: {  	_ =	shalt  }
0x62: {  	_ =	shalt  }
0x63: {  	_ =	shalt  }
0x64: {  	_ =	shalt  }
0x65: {  	_ =	shalt  }
0x66: {  	_ =	shalt  }
0x67: {  	_ =	shalt  }
0x68: {  	_ =	shalt  }
0x69: {  	_ =	shalt  }
0x6a: {  	_ =	shalt  }
0x6b: {  	_ =	shalt  }
0x6c: {  	_ =	shalt  }
0x6d: {  	_ =	shalt  }
0x6e: {  	_ =	shalt  }
0x6f: {  	_ =	shalt  }
0x70: {  	_ =	shalt  }
0x71: {  	_ =	shalt  }
0x72: {  	_ =	shalt  }
0x73: {  	_ =	shalt  }
0x74: {  	_ =	shalt  }
0x75: {  	_ =	shalt  }
0x76: {  	_ =	shalt  }
0x77: {  	_ =	shalt  }
0x78: {  	_ =	shalt  }
0x79: {  	_ =	shalt  }
0x7a: {  	_ =	shalt  }
0x7b: {  	_ =	shalt  }
0x7c: {  	_ =	shalt  }
0x7d: {  	_ =	shalt  }
0x7e: {  	_ =	shalt  }
0x7f: {  	_ =	shalt  }
0x80: {  	_ =	shalt  }
0x81: {  	_ =	shalt  }
0x82: {  	_ =	shalt  }
0x83: {  	_ =	shalt  }
0x84: {  	_ =	shalt  }
0x85: {  	_ =	shalt  }
0x86: {  	_ =	shalt  }
0x87: {  	_ =	shalt  }
.Lfunc_end0:
.L_simem_size_0:
called_computation_lowered:
.L_overlay_start_0:
0x88: {  	s2 =	sld [smem:$0x3FD9]  }
0x89: {  	s3 =	sld [smem:$0x3FFE];
	_ =	sdelay $0x1  }
0x8a: {  	s1 =	srdreg.scid  }
0x8b: {  	s0 =	sand.u32 $0x1, s1  }
0x8c: {  	s17 =	sshll.u32 s0, $0xA;
	s2 =	sadd.s32 s3, s2  }
0x8d: {  	s2 =	sadd.s32 s2, s17  }
0x8e: {  	[smem:$0x3FC5] =	sst s2  }
0x8f: {  	_ = 	snop  }
0x90: {  	s2 =	sld [smem:$0x3FD0];
	(tm) =	ssettm $0x1  }
0x91: {  	s18 =	sld [smem:$0x3FFB];
	_ =	sdelay $0x3  }
0x92: {  	_ =	strace s18  }
0x93: {  	s3 =	sld [smem:$0x3FFC];
	_ =	sdelay $0x3  }
0x94: {  	_ =	strace s3  }
0x95: {  	s3 =	sld [smem:$0x3FFD];
	_ =	sdelay $0x3  }
0x96: {  	_ =	strace s3  }
0x97: {  	_ =	strace $0x8FFFFFFF  }
0x98: {  	s19 =	sld [smem:$0x3FDB];
	_ =	sdelay $0x1  }
0x99: {  	s4 =	simm.s32 $_scs_section_size  }
0x9a: {  	s5 =	simm.s32 $_size__tile_overlayer_lowered;
	s6 =	simm.s32 $_tile_overlayer_lowered  }
0x9b: {  	s22 =	simm.s32 $0x1BFF;
	s21 =	sshll.u32 s6, $0x1;
	s3 =	sadd.s32 s4, s19  }
0x9c: {  	s7 =	simm.s32 $0x0;
	s20 =	sshll.u32 s5, $0x1;
	s5 =	sadd.s32 s21, s3  }
0x9d: {  	[timem:s7], [sflag:s22] =	dma.local [hbm:s5], s20  }
0x9e: {  	_ =	swait.ge [sflag:s22], s20  }
0x9f: {  	s4 =	ssub.s32 $0x0, s20;
	[sflag:s22] =	ssyncset.done $0x0  }
0xa0: {  	[sflag:s22] =	ssyncadd.s32 s4;
	_ =	sdelay $0x1  }
0xa1: {  	s23 =	simm.s32 $0x1B8B  }
0xa2: {  	_ =	swait.ge [sflag:s23], $0x1  }
0xa3: {  	[sflag:s23] =	ssyncset.done $0x0  }
0xa4: {  	s25 =	simm.s32 $0x1B8E;
	s24 =	sld [smem:$0x3FFE];
	[sflag:s23] =	ssyncadd.s32 $0xFFFFFFFF  }
0xa5: {  	s26 =	simm.s32 $execute0_lowered;
	[smem:$0x3FD2] =	sst s25  }
0xa6: {  	s5 =	sshll.u32 s26, $0x1;
	_ =	strace $0x80000046;
	[dreg:$0x1] =	wrdreg $0xFFFFFFFF  }
0xa7: {  	s28 =	simm.s32 $_size_execute0_lowered;
	s3 =	sadd.s32 s3, s5;
	[dreg:$0x0] =	wrdreg $0x0  }
0xa8: {  	s5 =	sshll.u32 s28, $0x1;
	[dreg:$0x2] =	wrdreg s3  }
0xa9: {  	[dreg:$0x3] =	wrdreg s5  }
0xaa: {  	[dreg:$0x4] =	wrdreg $0xC0  }
0xab: {  	_ =	task [dreg:s7], $0x5FFFF  }
0xac: {  	[dreg:$0x1] =	wrdreg $0xFFFFFFFF  }
0xad: {  	[dreg:$0x0] =	wrdreg $0x60  }
0xae: {  	[dreg:$0x2] =	wrdreg s24  }
0xaf: {  	[dreg:$0x3] =	wrdreg s2  }
0xb0: {  	[dreg:$0x4] =	wrdreg $0x9  }
0xb1: {  	_ =	task.clear_ibuf [dreg:s7], $0x5FFFF;
	_ =	strace $0x90000046  }
0xb2: {  	s29 =	simm.s32 $0x9;
	_ =	strace $0x80000048  }
0xb3: {  	_ =	swait.ge [sflag:s29], $0x1  }
0xb4: {  	[sflag:s29] =	ssyncadd.s32 $0xFFFFFFFF  }
0xb5: {  	_ =	strace $0x90000048  }
0xb6: {  	_ =	sfence  }
0xb7: {  	s30 =	sld [smem:$0x0];
	_ =	sdelay $0x2  }
0xb8: {  	s31 =	sshll.u32 s1, $0xD;
	s1 =	sshrl.u32 s1, $0x2  }
0xb9: {  	s3 =	sand.u32 $0x4000, s31;
	s1 =	sadd.s32 s1, s30  }
0xba: {  	s0 =	sor.u32 s3, s0;
	s1 =	sshll.u32 s1, $0x11  }
0xbb: {  	s0 =	sor.u32 s1, s0  }
0xbc: {  	s0 =	sadd.s32 $0x8F2B, s0  }
0xbd: {  	[sflag:s0] =	ssyncadd.remote.s32 $0x1  }
0xbe: {  	_ =	sfence.sel $0xFFFF  }
0xbf: {  	[dreg:$0x0] =	wrdreg $0xFFFFFFFF;
	(pc) =	sbr.abs _section_cstart, $3  }
0xc0: {  	[dreg:$0x1] =	wrdreg $0xFFFFFFFF  }
0xc1: {  	_ =	task.clear_ibuf [dreg:s7], $0x2FFFF;
	_ =	strace $0x9FFFFFFF  }
0xc2: {  	(tm) =	ssettm $0x7FFFFFFF  }
0xc3: {  	_ =	shalt  }
tec
execute0_lowered:
.L_overlay_start_1:
0x0: {  	(tag) =	ssettag $0x1  }
0x1: {  	s0 =	rddreg [dreg:$0x0]  }
0x2: {  	s1 =	srdreg.scid;
	s9 =	stileid.u32  }
0x3: {  	s2 =	rddreg [dreg:$0x1];
	s4 =	simm.s32 $0x0;
	s11 =	simm.s32 $0xD  }
0x4: {  	s13 =	simm.s32 $0x100;
	s14 =	simm.s32 $0x10800;
	s15 =	simm.s32 $0x1  }
0x5: {  	s16 =	simm.s32 $0xC800;
	s17 =	simm.s32 $0x14800;
	s18 =	simm.s32 $0x2  }
0x6: {  	s19 =	simm.s32 $0x5;
	s20 =	simm.s32 $0x40;
	s21 =	simm.s32 $0x80  }
0x7: {  	s22 =	simm.s32 $0x18800;
	s1 =	sand.u32 $0x1, s1;
	s3 =	sshll.u32 s9, $0x1  }
0x8: {  	s23 =	simm.s32 $0x3;
	s29 =	smul.u32 $0xC8000, s9;
	s3 =	sor.u32 s1, s3  }
0x9: {  	[smem:$0x7FF] =	sst s4;
	s5 =	ssub.s32 $0x2, s1;
	s25 =	smul.u32 $0xC80, s3  }
0xa: {  	s4 =	sadd.s32 $0x1E85000, s0;
	s6 =	smul.u32 $0x64, s3;
	s8 =	sshrl.u32 s5, $0x1  }
0xb: {  	_ =	strace $0x80000047;
	s3 =	smul.u32 $0x320000, s3;
	s26 =	ssub.s32 s5, s8  }
0xc: {  	s7 =	sadd.s32 s25, s0;
	[dreg:$0x3] =	wrdreg s6;
	s0 =	smax.u32 s26, $0x1  }
0xd: {  	s3 =	sshrl.u32 s3, $0x3;
	s28 =	sadd.s32 $0x19800, s7;
	[dreg:$0x8] =	wrdreg s0  }
0xe: {  	s30 =	sadd.s32 $0x800, s7;
	s3 =	sadd.s32 s2, s3;
	[dreg:$0x4] =	wrdreg s28  }
0xf: {  	s1 =	smul.u32 $0x64000, s1;
	[dreg:$0x5] =	wrdreg s30;
	s31 =	sadd.s32 $0x62000, s3  }
0x10: {  	s24 =	simm.s32 $0x6;
	s3 =	sadd.s32 $0x63000, s3;
	[dreg:$0x6] =	wrdreg s31  }
0x11: {  	s12 =	simm.s32 $0x0;
	s10 =	sadd.s32 s1, s29;
	[dreg:$0x7] =	wrdreg s3  }
.LBB2_1:
0x12: {  	s0 =	simm.s32 $0x0;
	s1 =	rddreg [dreg:$0x4]  }
0x13: {  	[tilespmem:s0], [sflag:$0xD] =	stream.linear.gather [hbm4b:s1+s0], $0x6400, $0x38;
	[tilespmem:$0x1C800] =	vst v63  }
0x14: {  	_ =	swait.ge [sflag:s11], $0x6400  }
0x15: {  	[sflag:s11] =	ssyncset.done $0x0  }
0x16: {  	s3 =	simm.s32 $0x6400;
	s9 =	rddreg [dreg:$0x5];
	[sflag:s11] =	ssyncadd.s32 $0xFFFF9C00  }
0x17: {  	[tilespmem:s3], [sflag:$0xD] =	stream.linear.gather [hbm4b:s9+s0], $0x6400, $0x38;
	[tilespmem:$0x1C800] =	vst v63  }
0x18: {  	_ =	swait.ge [sflag:s11], $0x6400  }
0x19: {  	p0 =	por $0x0, $0x0;
	[sflag:s11] =	ssyncset.done $0x0  }
0x1a: {  	s3 =	simm.s32 @p0 $0x9;
	[sflag:s11] =	ssyncadd.s32 $0xFFFF9C00  }
0x1b: {  	_ =	swait.ge @p0 [sflag:s3], $0x4000  }
0x1c: {  	s5 =	simm.s32 @p0 $0xC800;
	s6 =	simm.s32 @p0 $0x4;
	[sflag:s3] =	ssyncset.done @p0 $0x0  }
0x1d: {  	s7 =	simm.s32 @p0 $0x0;
	s8 =	simm.s32 @p0 $0x100;
	[sflag:s3] =	ssyncadd.s32 @p0 $0xFFFFC000  }
0x1e: {  	[tilespmem:s5], [sflag:$0x1] =	stream.indirect.gather @p0 [hbm4b:s4+s8], $0x40, s7, s8, $0xb8;
	[tilespmem:$0x1C800] =	vst v63  }
0x1f: {  	_ =	swait.ge @p0 [sflag:s6], $0x4000  }
0x20: {  	s3 =	simm.s32 @p0 $0x6300;
	s5 =	simm.s32 @p0 $0x18800;
	[sflag:s6] =	ssyncset.done @p0 $0x0  }
0x21: {  	s7 =	simm.s32 @p0 $0x7;
	[sflag:s6] =	ssyncadd.s32 @p0 $0xFFFFC000;
	s6 =	sadd.s32 @p0 $0x1FFFE000, s10  }
0x22: {  	[tilespmem:s5], [sflag:$0x8] =	stream.indirect.gather.add.f32 @p0 [hbm:s4], $0x40, s3, s8, $0xb8;
	[tilespmem:$0x1C800] =	vst v63  }
0x23: {  	s3 =	simm.s32 @p0 $0xA;
	s5 =	sand.u32 @p0 $0x1FFFE000, s6;
	_ =	swait.ge @p0 [sflag:s7], $0x4000  }
0x24: {  	s6 =	simm.s32 @p0 $0x80;
	s8 =	simm.s32 @p0 $0x40;
	[sflag:s7] =	ssyncset.done @p0 $0x0  }
0x25: {  	s5 =	sadd.s32 @p0 s2, s5;
	[sflag:s7] =	ssyncadd.s32 @p0 $0xFFFFC000;
	s7 =	simm.s32 @p0 $0x14800  }
0x26: {  	[hbm4b:s5+s8] =	stream.strided.scatter @p0 [tilespmem:s7], [sflag:$0xB], $0x4000, s6, s8, $0x38;
	[tilespmem:$0x1C800] =	vst v63  }
0x27: {  	s5 =	simm.s32 $0x1;
	_ =	swait.ge @p0 [sflag:s3], $0x4000  }
0x28: {  	s6 =	simm.s32 @!p0 $0xC800;
	s7 =	simm.s32 @!p0 $0x100;
	[sflag:s3] =	ssyncset.done @p0 $0x0  }
0x29: {  	s8 =	simm.s32 @!p0 $0x0;
	s5 =	simm.s32 @!p0 $0x1;
	[sflag:s3] =	ssyncadd.s32 @p0 $0xFFFFC000  }
0x2a: {  	[tilespmem:s6], [sflag:$0x1] =	stream.indirect.gather @!p0 [hbm4b:s4+s7], $0x40, s8, s7, $0xb8;
	[tilespmem:$0x1C800] =	vst v63  }
0x2b: {  	s25 =	sshll.u32 s5, $0x8;
	s6 =	simm.s32 $0x0  }
0x2c: {  	[tilespmem:s14], [sflag:$0x2] =	stream.indirect.gather [hbm4b:s4+s13], $0x40, s25, s13, $0xb8;
	[tilespmem:$0x1C800] =	vst v63  }
0x2d: {  	s6 =	simm.s32 @!p0 $0x0;
	_ =	swait.ge [sflag:s15], $0x4000  }
0x2e: {  	p0 =	por $0x1, $0x1;
	s26 =	sadd.s32 $0x6400, s6;
	[sflag:s15] =	ssyncset.done $0x0  }
0x2f: {  	s8 =	simm.s32 @!p0 $0x8;
	s9 =	sadd.s32 @!p0 $0x1FFFF000, s10;
	[sflag:s15] =	ssyncadd.s32 $0xFFFFC000  }
0x30: {  	[tilespmem:s16], [sflag:$0x5] =	stream.indirect.gather.add.f32 [hbm:s4], $0x40, s26, s13, $0xb8;
	[tilespmem:$0x1C800] =	vst v63  }
0x31: {  	s7 =	sand.u32 @!p0 $0x1FFFF000, s9;
	_ =	swait.ge @!p0 [sflag:s8], $0x4000  }
0x32: {  	s9 =	simm.s32 @!p0 $0x80;
	s7 =	sadd.s32 @!p0 s2, s7;
	[sflag:s8] =	ssyncset.done @!p0 $0x0  }
0x33: {  	s26 =	simm.s32 @!p0 $0x40;
	[sflag:s8] =	ssyncadd.s32 @!p0 $0xFFFFC000;
	s8 =	simm.s32 @!p0 $0x18800  }
0x34: {  	[hbm4b:s7+s26] =	stream.strided.scatter @!p0 [tilespmem:s8], [sflag:$0xC], $0x4000, s9, s26, $0x38;
	[tilespmem:$0x1C800] =	vst v63  }
0x35: {  	s7 =	simm.s32 @!p0 $0xB  }
0x36: {  	_ =	swait.ge @!p0 [sflag:s7], $0x4000  }
0x37: {  	[sflag:s7] =	ssyncset.done @!p0 $0x0  }
0x38: {  	s6 =	sor.u32 $0x200, s6;
	[sflag:s7] =	ssyncadd.s32 @!p0 $0xFFFFC000  }
0x39: {  	[tilespmem:s17], [sflag:$0x3] =	stream.indirect.gather [hbm4b:s4+s13], $0x40, s6, s13, $0xb8;
	[tilespmem:$0x1C800] =	vst v63  }
0x3a: {  	_ =	swait.ge [sflag:s18], $0x4000  }
0x3b: {  	[sflag:s18] =	ssyncset.done $0x0  }
0x3c: {  	s3 =	sadd.s32 $0x6400, s25;
	[sflag:s18] =	ssyncadd.s32 $0xFFFFC000  }
0x3d: {  	[tilespmem:s14], [sflag:$0x6] =	stream.indirect.gather.add.f32 [hbm:s4], $0x40, s3, s13, $0xb8;
	[tilespmem:$0x1C800] =	vst v63  }
0x3e: {  	_ =	swait.ge [sflag:s19], $0x4000  }
0x3f: {  	[sflag:s19] =	ssyncset.done $0x0  }
0x40: {  	s28 =	sadd.s32 s10, s2;
	s7 =	simm.s32 @!p0 $0xC;
	[sflag:s19] =	ssyncadd.s32 $0xFFFFC000  }
0x41: {  	[hbm4b:s28+s20] =	stream.strided.scatter [tilespmem:s16], [sflag:$0x9], $0x4000, s21, s20, $0x38;
	[tilespmem:$0x1C800] =	vst v63  }
0x42: {  	_ =	swait.ge @!p0 [sflag:s7], $0x4000  }
0x43: {  	[sflag:s7] =	ssyncset.done @!p0 $0x0  }
0x44: {  	s29 =	simm.s32 $0x300;
	[sflag:s7] =	ssyncadd.s32 @!p0 $0xFFFFC000  }
0x45: {  	[tilespmem:s22], [sflag:$0x4] =	stream.indirect.gather [hbm4b:s4+s13], $0x40, s29, s13, $0xb8;
	[tilespmem:$0x1C800] =	vst v63  }
0x46: {  	_ =	swait.ge [sflag:s23], $0x4000  }
0x47: {  	[sflag:s23] =	ssyncset.done $0x0  }
0x48: {  	s30 =	sadd.s32 $0x6400, s6;
	[sflag:s23] =	ssyncadd.s32 $0xFFFFC000  }
0x49: {  	[tilespmem:s17], [sflag:$0x7] =	stream.indirect.gather.add.f32 [hbm:s4], $0x40, s30, s13, $0xb8;
	[tilespmem:$0x1C800] =	vst v63  }
0x4a: {  	p1 =	por $0x1, $0x1;
	s9 =	simm.s32 $0x5;
	_ =	swait.ge [sflag:s24], $0x4000  }
0x4b: {  	s3 =	simm.s32 $0x1000;
	s31 =	rddreg [dreg:$0x3];
	[sflag:s24] =	ssyncset.done $0x0  }
0x4c: {  	s7 =	simm.s32 $0x2000;
	[sflag:s24] =	ssyncadd.s32 $0xFFFFC000;
	s6 =	sadd.s32 s31, s5  }
0x4d: {  	s5 =	sadd.s32 $0x4000, s10;
	s8 =	sshll.u32 s6, $0xC;
	s6 =	simm.s32 $0x400  }
.LBB2_2:
0x4e: {  	s25 =	sand.u32 $0x1FFFD000, s8  }
0x4f: {  	s26 =	simm.s32 @p1 $0x9;
	s25 =	sadd.s32 s2, s25  }
0x50: {  	[hbm4b:s25+s20] =	stream.strided.scatter [tilespmem:s14], [sflag:$0xA], $0x4000, s21, s20, $0x38;
	[tilespmem:$0x1C800] =	vst v63  }
0x51: {  	_ =	swait.ge @p1 [sflag:s26], $0x4000  }
0x52: {  	s28 =	simm.s32 @p1 $0x4;
	s29 =	sshra.s32 @p1 s3, $0x2;
	[sflag:s26] =	ssyncset.done @p1 $0x0  }
0x53: {  	s30 =	simm.s32 @p1 $0x100;
	s25 =	simm.s32 @p1 $0xC800;
	[sflag:s26] =	ssyncadd.s32 @p1 $0xFFFFC000  }
0x54: {  	[tilespmem:s25], [sflag:$0x1] =	stream.indirect.gather @p1 [hbm4b:s4+s30], $0x40, s29, s30, $0xb8;
	[tilespmem:$0x1C800] =	vst v63  }
0x55: {  	_ =	swait.ge @p1 [sflag:s28], $0x4000  }
0x56: {  	s31 =	simm.s32 @p1 $0x7;
	s26 =	sadd.s32 @p1 $0x6300, s29;
	[sflag:s28] =	ssyncset.done @p1 $0x0  }
0x57: {  	s29 =	simm.s32 @p1 $0x18800;
	[sflag:s28] =	ssyncadd.s32 @p1 $0xFFFFC000;
	s28 =	sadd.s32 @p1 $0x1FFFE000, s5  }
0x58: {  	[tilespmem:s29], [sflag:$0x8] =	stream.indirect.gather.add.f32 @p1 [hbm:s4], $0x40, s26, s30, $0xb8;
	[tilespmem:$0x1C800] =	vst v63  }
0x59: {  	s25 =	simm.s32 @p1 $0xA;
	s26 =	sand.u32 @p1 $0x1FFFE000, s28;
	_ =	swait.ge @p1 [sflag:s31], $0x4000  }
0x5a: {  	s28 =	simm.s32 @p1 $0x80;
	s29 =	simm.s32 @p1 $0x40;
	[sflag:s31] =	ssyncset.done @p1 $0x0  }
0x5b: {  	s30 =	simm.s32 @p1 $0x14800;
	s26 =	sadd.s32 @p1 s2, s26;
	[sflag:s31] =	ssyncadd.s32 @p1 $0xFFFFC000  }
0x5c: {  	[hbm4b:s26+s29] =	stream.strided.scatter @p1 [tilespmem:s30], [sflag:$0xB], $0x4000, s28, s29, $0x38;
	[tilespmem:$0x1C800] =	vst v63  }
0x5d: {  	s28 =	simm.s32 @!p1 $0xC800;
	_ =	swait.ge @p1 [sflag:s25], $0x4000  }
0x5e: {  	s26 =	smov.u32 s9;
	s29 =	simm.s32 @!p1 $0x100;
	[sflag:s25] =	ssyncset.done @p1 $0x0  }
0x5f: {  	s30 =	simm.s32 @!p1 $0x0;
	s26 =	simm.s32 @!p1 $0x1;
	[sflag:s25] =	ssyncadd.s32 @p1 $0xFFFFC000  }
0x60: {  	[tilespmem:s28], [sflag:$0x1] =	stream.indirect.gather @!p1 [hbm4b:s4+s29], $0x40, s30, s29, $0xb8;
	[tilespmem:$0x1C800] =	vst v63  }
0x61: {  	s25 =	sshll.u32 s26, $0x8;
	s28 =	smov.u32 s6  }
0x62: {  	[tilespmem:s14], [sflag:$0x2] =	stream.indirect.gather [hbm4b:s4+s13], $0x40, s25, s13, $0xb8;
	[tilespmem:$0x1C800] =	vst v63  }
0x63: {  	s28 =	simm.s32 @!p1 $0x0;
	_ =	swait.ge [sflag:s15], $0x4000  }
0x64: {  	p1 =	seq.s32 s3, $0x0;
	s1 =	sadd.s32 $0x6400, s28;
	[sflag:s15] =	ssyncset.done $0x0  }
0x65: {  	s30 =	simm.s32 @!p1 $0x8;
	s31 =	sadd.s32 @!p1 $0x1FFFF000, s5;
	[sflag:s15] =	ssyncadd.s32 $0xFFFFC000  }
0x66: {  	[tilespmem:s16], [sflag:$0x5] =	stream.indirect.gather.add.f32 [hbm:s4], $0x40, s1, s13, $0xb8;
	[tilespmem:$0x1C800] =	vst v63  }
0x67: {  	s0 =	simm.s32 @!p1 $0xB;
	s29 =	sand.u32 @!p1 $0x1FFFF000, s31;
	_ =	swait.ge @!p1 [sflag:s30], $0x4000  }
0x68: {  	s31 =	simm.s32 @!p1 $0x80;
	s29 =	sadd.s32 @!p1 s2, s29;
	[sflag:s30] =	ssyncset.done @!p1 $0x0  }
0x69: {  	s1 =	simm.s32 @!p1 $0x40;
	[sflag:s30] =	ssyncadd.s32 @!p1 $0xFFFFC000;
	s30 =	simm.s32 @!p1 $0x18800  }
0x6a: {  	[hbm4b:s29+s1] =	stream.strided.scatter @!p1 [tilespmem:s30], [sflag:$0xC], $0x4000, s31, s1, $0x38;
	[tilespmem:$0x1C800] =	vst v63  }
0x6b: {  	_ =	swait.ge @!p1 [sflag:s0], $0x4000  }
0x6c: {  	[sflag:s0] =	ssyncset.done @!p1 $0x0  }
0x6d: {  	s31 =	sor.u32 $0x200, s28;
	[sflag:s0] =	ssyncadd.s32 @!p1 $0xFFFFC000  }
0x6e: {  	[tilespmem:s17], [sflag:$0x3] =	stream.indirect.gather [hbm4b:s4+s13], $0x40, s31, s13, $0xb8;
	[tilespmem:$0x1C800] =	vst v63  }
0x6f: {  	_ =	swait.ge [sflag:s18], $0x4000  }
0x70: {  	[sflag:s18] =	ssyncset.done $0x0  }
0x71: {  	s25 =	sadd.s32 $0x6400, s25;
	[sflag:s18] =	ssyncadd.s32 $0xFFFFC000  }
0x72: {  	[tilespmem:s14], [sflag:$0x6] =	stream.indirect.gather.add.f32 [hbm:s4], $0x40, s25, s13, $0xb8;
	[tilespmem:$0x1C800] =	vst v63  }
0x73: {  	_ =	swait.ge [sflag:s19], $0x4000  }
0x74: {  	[sflag:s19] =	ssyncset.done $0x0  }
0x75: {  	s28 =	sadd.s32 s5, s2;
	s25 =	simm.s32 @!p1 $0xC;
	[sflag:s19] =	ssyncadd.s32 $0xFFFFC000  }
0x76: {  	[hbm4b:s28+s20] =	stream.strided.scatter [tilespmem:s16], [sflag:$0x9], $0x4000, s21, s20, $0x38;
	[tilespmem:$0x1C800] =	vst v63  }
0x77: {  	_ =	swait.ge @!p1 [sflag:s25], $0x4000  }
0x78: {  	s29 =	sshra.s32 s3, $0x2;
	[sflag:s25] =	ssyncset.done @!p1 $0x0  }
0x79: {  	s0 =	sadd.s32 $0x300, s29;
	[sflag:s25] =	ssyncadd.s32 @!p1 $0xFFFFC000  }
0x7a: {  	[tilespmem:s22], [sflag:$0x4] =	stream.indirect.gather [hbm4b:s4+s13], $0x40, s0, s13, $0xb8;
	[tilespmem:$0x1C800] =	vst v63  }
0x7b: {  	_ =	swait.ge [sflag:s23], $0x4000  }
0x7c: {  	s8 =	smov.u32 s7;
	s7 =	sadd.s32 $0x1000, s7;
	[sflag:s23] =	ssyncset.done $0x0  }
0x7d: {  	p0 =	sne.s32 s7, $0x19000;
	s30 =	sadd.s32 $0x6400, s31;
	[sflag:s23] =	ssyncadd.s32 $0xFFFFC000  }
0x7e: {  	[tilespmem:s17], [sflag:$0x7] =	stream.indirect.gather.add.f32 [hbm:s4], $0x40, s30, s13, $0xb8;
	[tilespmem:$0x1C800] =	vst v63  }
.Ltmp0:
0x7f: {  	_ = 	snop;
	(pc) =	sbr.rel @p0 .LBB2_2-.Ltmp0, $4  }
0x80: {  	s9 =	sadd.s32 $0x4, s9;
	_ =	swait.ge [sflag:s24], $0x4000  }
0x81: {  	s6 =	sadd.s32 $0x400, s6;
	s3 =	smov.u32 s8;
	s31 =	rddreg [dreg:$0x3]  }
0x82: {  	s5 =	sadd.s32 $0x4000, s5;
	[sflag:s24] =	ssyncset.done $0x0;
	s0 =	sadd.s32 s31, s26  }
0x83: {  	p1 =	sne.s32 s3, $0x0;
	[sflag:s24] =	ssyncadd.s32 $0xFFFFC000;
	s8 =	sshll.u32 s0, $0xC  }
0x84: {  	s0 =	sand.u32 $0x1FFFD000, s8  }
0x85: {  	s1 =	simm.s32 @p1 $0x9;
	s0 =	sadd.s32 s2, s0  }
0x86: {  	[hbm4b:s0+s20] =	stream.strided.scatter [tilespmem:s14], [sflag:$0xA], $0x4000, s21, s20, $0x38;
	[tilespmem:$0x1C800] =	vst v63  }
0x87: {  	_ =	swait.ge @p1 [sflag:s1], $0x4000  }
0x88: {  	s7 =	simm.s32 @p1 $0x4;
	s8 =	sshra.s32 @p1 s3, $0x2;
	[sflag:s1] =	ssyncset.done @p1 $0x0  }
0x89: {  	s25 =	simm.s32 @p1 $0x100;
	s0 =	simm.s32 @p1 $0xC800;
	[sflag:s1] =	ssyncadd.s32 @p1 $0xFFFFC000  }
0x8a: {  	[tilespmem:s0], [sflag:$0x1] =	stream.indirect.gather @p1 [hbm4b:s4+s25], $0x40, s8, s25, $0xb8;
	[tilespmem:$0x1C800] =	vst v63  }
0x8b: {  	_ =	swait.ge @p1 [sflag:s7], $0x4000  }
0x8c: {  	s1 =	simm.s32 @p1 $0x18800;
	s0 =	sadd.s32 @p1 $0x6300, s8;
	[sflag:s7] =	ssyncset.done @p1 $0x0  }
0x8d: {  	s8 =	simm.s32 @p1 $0x7;
	[sflag:s7] =	ssyncadd.s32 @p1 $0xFFFFC000;
	s7 =	sadd.s32 @p1 $0x1FFFE000, s5  }
0x8e: {  	[tilespmem:s1], [sflag:$0x8] =	stream.indirect.gather.add.f32 @p1 [hbm:s4], $0x40, s0, s25, $0xb8;
	[tilespmem:$0x1C800] =	vst v63  }
0x8f: {  	s0 =	simm.s32 @p1 $0xA;
	s1 =	sand.u32 @p1 $0x1FFFE000, s7;
	_ =	swait.ge @p1 [sflag:s8], $0x4000  }
0x90: {  	s7 =	simm.s32 @p1 $0x80;
	s25 =	simm.s32 @p1 $0x40;
	[sflag:s8] =	ssyncset.done @p1 $0x0  }
0x91: {  	s1 =	sadd.s32 @p1 s2, s1;
	[sflag:s8] =	ssyncadd.s32 @p1 $0xFFFFC000;
	s8 =	simm.s32 @p1 $0x14800  }
0x92: {  	[hbm4b:s1+s25] =	stream.strided.scatter @p1 [tilespmem:s8], [sflag:$0xB], $0x4000, s7, s25, $0x38;
	[tilespmem:$0x1C800] =	vst v63  }
0x93: {  	_ =	swait.ge @p1 [sflag:s0], $0x4000  }
0x94: {  	s9 =	simm.s32 @!p1 $0x1;
	s1 =	simm.s32 @!p1 $0xC800;
	[sflag:s0] =	ssyncset.done @p1 $0x0  }
0x95: {  	s7 =	simm.s32 @!p1 $0x100;
	s8 =	simm.s32 @!p1 $0x0;
	[sflag:s0] =	ssyncadd.s32 @p1 $0xFFFFC000  }
0x96: {  	[tilespmem:s1], [sflag:$0x1] =	stream.indirect.gather @!p1 [hbm4b:s4+s7], $0x40, s8, s7, $0xb8;
	[tilespmem:$0x1C800] =	vst v63  }
0x97: {  	s31 =	sshll.u32 s9, $0x8  }
0x98: {  	[tilespmem:s14], [sflag:$0x2] =	stream.indirect.gather [hbm4b:s4+s13], $0x40, s31, s13, $0xb8;
	[tilespmem:$0x1C800] =	vst v63  }
0x99: {  	_ =	swait.ge [sflag:s15], $0x4000  }
0x9a: {  	s6 =	simm.s32 @!p1 $0x0;
	p0 =	seq.s32 s3, $0x0;
	[sflag:s15] =	ssyncset.done $0x0  }
0x9b: {  	s26 =	sadd.s32 $0x6400, s6;
	s7 =	simm.s32 @!p0 $0x8;
	[sflag:s15] =	ssyncadd.s32 $0xFFFFC000  }
0x9c: {  	[tilespmem:s16], [sflag:$0x5] =	stream.indirect.gather.add.f32 [hbm:s4], $0x40, s26, s13, $0xb8;
	[tilespmem:$0x1C800] =	vst v63  }
0x9d: {  	s25 =	simm.s32 @!p0 $0x40;
	s8 =	sadd.s32 @!p0 $0x1FFFF000, s5;
	_ =	swait.ge @!p0 [sflag:s7], $0x4000  }
0x9e: {  	s1 =	sand.u32 @!p0 $0x1FFFF000, s8;
	s8 =	simm.s32 @!p0 $0x80;
	[sflag:s7] =	ssyncset.done @!p0 $0x0  }
0x9f: {  	s1 =	sadd.s32 @!p0 s2, s1;
	[sflag:s7] =	ssyncadd.s32 @!p0 $0xFFFFC000;
	s7 =	simm.s32 @!p0 $0x18800  }
0xa0: {  	[hbm4b:s1+s25] =	stream.strided.scatter @!p0 [tilespmem:s7], [sflag:$0xC], $0x4000, s8, s25, $0x38;
	[tilespmem:$0x1C800] =	vst v63  }
0xa1: {  	s1 =	simm.s32 @!p0 $0xB  }
0xa2: {  	_ =	swait.ge @!p0 [sflag:s1], $0x4000  }
0xa3: {  	[sflag:s1] =	ssyncset.done @!p0 $0x0  }
0xa4: {  	s28 =	sor.u32 $0x200, s6;
	[sflag:s1] =	ssyncadd.s32 @!p0 $0xFFFFC000  }
0xa5: {  	[tilespmem:s17], [sflag:$0x3] =	stream.indirect.gather [hbm4b:s4+s13], $0x40, s28, s13, $0xb8;
	[tilespmem:$0x1C800] =	vst v63  }
0xa6: {  	_ =	swait.ge [sflag:s18], $0x4000  }
0xa7: {  	[sflag:s18] =	ssyncset.done $0x0  }
0xa8: {  	s0 =	sadd.s32 $0x6400, s31;
	[sflag:s18] =	ssyncadd.s32 $0xFFFFC000  }
0xa9: {  	[tilespmem:s14], [sflag:$0x6] =	stream.indirect.gather.add.f32 [hbm:s4], $0x40, s0, s13, $0xb8;
	[tilespmem:$0x1C800] =	vst v63  }
0xaa: {  	_ =	swait.ge [sflag:s19], $0x4000  }
0xab: {  	[sflag:s19] =	ssyncset.done $0x0  }
0xac: {  	s29 =	sadd.s32 s5, s2;
	s0 =	simm.s32 @!p0 $0xC;
	[sflag:s19] =	ssyncadd.s32 $0xFFFFC000  }
0xad: {  	[hbm4b:s29+s20] =	stream.strided.scatter [tilespmem:s16], [sflag:$0x9], $0x4000, s21, s20, $0x38;
	[tilespmem:$0x1C800] =	vst v63  }
0xae: {  	_ =	swait.ge @!p0 [sflag:s0], $0x4000  }
0xaf: {  	s30 =	sshra.s32 s3, $0x2;
	[sflag:s0] =	ssyncset.done @!p0 $0x0  }
0xb0: {  	s31 =	sadd.s32 $0x300, s30;
	[sflag:s0] =	ssyncadd.s32 @!p0 $0xFFFFC000  }
0xb1: {  	[tilespmem:s22], [sflag:$0x4] =	stream.indirect.gather [hbm4b:s4+s13], $0x40, s31, s13, $0xb8;
	[tilespmem:$0x1C800] =	vst v63  }
0xb2: {  	_ =	swait.ge [sflag:s23], $0x4000  }
0xb3: {  	[sflag:s23] =	ssyncset.done $0x0  }
0xb4: {  	s1 =	sadd.s32 $0x6400, s28;
	[sflag:s23] =	ssyncadd.s32 $0xFFFFC000  }
0xb5: {  	[tilespmem:s17], [sflag:$0x7] =	stream.indirect.gather.add.f32 [hbm:s4], $0x40, s1, s13, $0xb8;
	[tilespmem:$0x1C800] =	vst v63  }
0xb6: {  	_ =	swait.ge [sflag:s24], $0x4000  }
0xb7: {  	s3 =	rddreg [dreg:$0x3]  }
0xb8: {  	s0 =	sadd.s32 s3, s9  }
0xb9: {  	s0 =	sshll.u32 s0, $0xC  }
0xba: {  	[sflag:s24] =	ssyncset.done $0x0;
	s0 =	sand.u32 $0x1FFFD000, s0  }
0xbb: {  	s5 =	simm.s32 $0x4;
	[sflag:s24] =	ssyncadd.s32 $0xFFFFC000;
	s0 =	sadd.s32 s2, s0  }
0xbc: {  	[hbm4b:s0+s20] =	stream.strided.scatter [tilespmem:s14], [sflag:$0xA], $0x4000, s21, s20, $0x38;
	[tilespmem:$0x1C800] =	vst v63  }
0xbd: {  	_ =	swait.ge [sflag:s5], $0x4000  }
0xbe: {  	[sflag:s5] =	ssyncset.done $0x0  }
0xbf: {  	s6 =	simm.s32 $0xC700;
	s7 =	simm.s32 $0x7;
	[sflag:s5] =	ssyncadd.s32 $0xFFFFC000  }
0xc0: {  	[tilespmem:s22], [sflag:$0x8] =	stream.indirect.gather.add.f32 [hbm:s4], $0x40, s6, s13, $0xb8;
	[tilespmem:$0x1C800] =	vst v63  }
0xc1: {  	_ =	swait.ge [sflag:s7], $0x4000  }
0xc2: {  	[sflag:s7] =	ssyncset.done $0x0  }
0xc3: {  	s9 =	simm.s32 $0x8;
	s8 =	rddreg [dreg:$0x6];
	[sflag:s7] =	ssyncadd.s32 $0xFFFFC000  }
0xc4: {  	[hbm4b:s8+s20] =	stream.strided.scatter [tilespmem:s17], [sflag:$0xB], $0x4000, s21, s20, $0x38;
	[tilespmem:$0x1C800] =	vst v63  }
0xc5: {  	_ =	swait.ge [sflag:s9], $0x4000  }
0xc6: {  	[sflag:s9] =	ssyncset.done $0x0  }
0xc7: {  	s26 =	simm.s32 $0x9;
	s25 =	rddreg [dreg:$0x7];
	[sflag:s9] =	ssyncadd.s32 $0xFFFFC000  }
0xc8: {  	[hbm4b:s25+s20] =	stream.strided.scatter [tilespmem:s22], [sflag:$0xC], $0x4000, s21, s20, $0x38;
	[tilespmem:$0x1C800] =	vst v63  }
0xc9: {  	_ =	swait.ge [sflag:s26], $0x4000  }
0xca: {  	[sflag:s26] =	ssyncset.done $0x0  }
0xcb: {  	s28 =	simm.s32 $0xA;
	[sflag:s26] =	ssyncadd.s32 $0xFFFFC000  }
0xcc: {  	_ =	swait.ge [sflag:s28], $0x4000  }
0xcd: {  	[sflag:s28] =	ssyncset.done $0x0  }
0xce: {  	s29 =	simm.s32 $0xB;
	[sflag:s28] =	ssyncadd.s32 $0xFFFFC000  }
0xcf: {  	_ =	swait.ge [sflag:s29], $0x4000  }
0xd0: {  	[sflag:s29] =	ssyncset.done $0x0  }
0xd1: {  	s30 =	simm.s32 $0xC;
	[sflag:s29] =	ssyncadd.s32 $0xFFFFC000  }
0xd2: {  	_ =	swait.ge [sflag:s30], $0x4000  }
0xd3: {  	s12 =	sadd.s32 $0x1, s12;
	s31 =	rddreg [dreg:$0x8]  }
0xd4: {  	p0 =	sne.s32 s12, s31  }
.Ltmp1:
0xd5: {  	_ = 	snop;
	(pc) =	sbr.rel @p0 .LBB2_1-.Ltmp1, $3  }
0xd6: {  	_ =	sdelay $0x1  }
0xd7: {  	[sflag:s30] =	ssyncset.done $0x0  }
0xd8: {  	[sflag:s30] =	ssyncadd.s32 $0xFFFFC000  }
0xd9: {  	_ =	sfence.sel $0x180000  }
0xda: {  	[bflag:$0x0] =	sbarrier.arrive $0xFFFF  }
0xdb: {  	_ =	strace $0x90000047  }
0xdc: {  	s0 =	stileid.u32;
	[bflag:$0x2] =	sbarrier.arrive $0xFFFF  }
0xdd: {  	p0 =	sne.s32 s0, $0x0;
	s0 =	rddreg [dreg:$0x2]  }
0xde: {  	s0 =	sadd.s32 @!p0 $0x100000, s0  }
0xdf: {  	[sflag:s0] =	ssyncadd.tile.s32 @!p0 $0x1;
	_ =	shalt  }
.Lfunc_end2:
_tile_overlayer_lowered:
.L_overlay_start_2:
0xe0: {  	(tag) =	ssettag $0x2  }
0xe1: {  	s0 =	rddreg [dreg:$0x0];
	s2 =	stileid.u32  }
0xe2: {  	s1 =	rddreg [dreg:$0x1];
	p0 =	sne.s32 s2, $0x0  }
0xe3: {  	s3 =	rddreg [dreg:$0x2];
	[bflag:$0x3] =	sbarrier.arrive $0xFFFF;
	s2 =	simm.s32 @!p0 $0x1C0D  }
0xe4: {  	[timem:s3], [sflag:s2] =	dma.local @!p0 [hbm:s0], s1  }
0xe5: {  	s0 =	simm.s32 @!p0 $0xD  }
0xe6: {  	_ =	swait.ge @!p0 [sflag:s0], s1  }
0xe7: {  	s1 =	ssub.s32 @!p0 $0x0, s1;
	[sflag:s0] =	ssyncset.done @!p0 $0x0  }
0xe8: {  	[sflag:s0] =	ssyncadd.s32 @!p0 s1  }
0xe9: {  	[bflag:$0x3] =	sbarrier.arrive $0xFFFF  }
0xea: {  	_ =	shalt  }

</sc_bundles>
